<compile_context>
chip_gen: v7x
topology: tpu7x:2x2x1
jax: 0.10.2.dev20260603
libtpu: 0.0.44.dev20260713+nightly
codegen_flags: <defaults>
</compile_context>

<pallas_src>
import functools

import jax
import jax.numpy as jnp
from jax import lax
from jax.experimental import pallas as pl
from jax.experimental.pallas import tpu as pltpu
from jax.experimental.pallas import tpu_sc as plsc

NC = 2
NS = 16
EDGE_CHUNK = 400
NBUF = 2
LANES = 16


def _pad_rows(n):
  return ((n + NS * 8 - 1) // (NS * 8)) * NS * 8


def _static_chunks(total, chunk):
  out, off = [], 0
  while off < total:
    sz = min(chunk, total - off)
    out.append((off, sz))
    off += sz
  return out


def _sc_agg_body(with_cnt, n, e, hd, *refs):
  if with_cnt:
    (feat, src2, dst, agg_out, cnt_out) = refs[:5]
    (ones_v, acc_sh, cnt_sh) = refs[5 + 3 * NBUF:5 + 3 * NBUF + 3]
    rest = refs[5:5 + 3 * NBUF] + refs[5 + 3 * NBUF + 3:]
  else:
    (feat, src2, dst, agg_out) = refs[:4]
    acc_sh = refs[4 + 3 * NBUF]
    ones_v = cnt_sh = None
    rest = refs[4:4 + 3 * NBUF] + refs[4 + 3 * NBUF + 1:]
  sidxs = rest[0:NBUF]
  didxs = rest[NBUF:2 * NBUF]
  rows = rest[2 * NBUF:3 * NBUF]
  gsems = rest[3 * NBUF:4 * NBUF]
  ssems = rest[4 * NBUF:5 * NBUF]
  csem = rest[5 * NBUF] if with_cnt else None
  rows_a = rows[0]
  c = lax.axis_index("c")
  s = lax.axis_index("s")
  n_pad = _pad_rows(n)
  rows_per_tile = n_pad // NS
  ch = EDGE_CHUNK

  def zrow(i, _):
    for j in range(hd // LANES):
      rows_a[i, pl.ds(j * LANES, LANES)] = jnp.zeros((LANES,), jnp.float32)
    return 0
  lax.fori_loop(0, ch, zrow, 0)

  base = s * rows_per_tile
  for off, sz in _static_chunks(rows_per_tile, ch):
    pltpu.sync_copy(rows_a.at[pl.ds(0, sz)], acc_sh.at[pl.ds(base + off, sz)])

  if with_cnt:
    def zone(i, _):
      ones_v[i, :] = jnp.zeros((LANES,), jnp.float32)
      return 0
    lax.fori_loop(0, ch, zone, 0)
    for off, sz in _static_chunks(rows_per_tile, ch):
      pltpu.sync_copy(ones_v.at[pl.ds(0, sz)],
                      cnt_sh.at[pl.ds(base + off, sz)])
    def sone(i, _):
      ones_v[i, :] = jnp.ones((LANES,), jnp.float32)
      return 0
    lax.fori_loop(0, ch, sone, 0)

  plsc.subcore_barrier()

  e_per_tile = e // NS
  cpt = e_per_tile // ch
  n_rounds = cpt // NBUF
  tail = cpt - n_rounds * NBUF
  ebase = s * e_per_tile
  sbase = c * e + ebase

  def drain(buf, sem):
    pltpu.make_async_copy(feat.at[pl.ds(0, ch)], buf, sem).wait()

  def body(p, _):
    base_r = NBUF * p * ch
    for q in range(NBUF):
      off = base_r + q * ch

      @pl.when(p > 0)
      def _drain_scat(ro=rows[q], ss=ssems[q]):
        drain(ro, ss)
      pltpu.sync_copy(src2.at[pl.ds(sbase + off, ch)], sidxs[q])
      pltpu.sync_copy(dst.at[pl.ds(ebase + off, ch)], didxs[q])
      pltpu.async_copy(feat.at[sidxs[q]], rows[q], gsems[q])
    for q in range(NBUF):
      drain(rows[q], gsems[q])
      pltpu.async_copy(rows[q], acc_sh.at[didxs[q]], ssems[q], add=True)
      if with_cnt:
        @pl.when(c == ((NBUF * p + q) % 2))
        def _cnt(di=didxs[q]):
          pltpu.async_copy(ones_v, cnt_sh.at[di], csem, add=True)
    return 0
  lax.fori_loop(0, n_rounds, body, 0)
  for t in range(tail):
    off = n_rounds * NBUF * ch + t * ch
    drain(rows[t], ssems[t])
    pltpu.sync_copy(src2.at[pl.ds(sbase + off, ch)], sidxs[t])
    pltpu.sync_copy(dst.at[pl.ds(ebase + off, ch)], didxs[t])
    pltpu.async_copy(feat.at[sidxs[t]], rows[t], gsems[t])
  for t in range(tail):
    drain(rows[t], gsems[t])
    pltpu.async_copy(rows[t], acc_sh.at[didxs[t]], ssems[t], add=True)
    if with_cnt:
      jj = n_rounds * NBUF + t
      @pl.when(c == (jj % 2))
      def _cnt_t(di=didxs[t]):
        pltpu.async_copy(ones_v, cnt_sh.at[di], csem, add=True)
  for q in range(NBUF):
    drain(rows[q], ssems[q])
  if with_cnt:
    assert cpt % 2 == 0

    def cnt_drain(i, _):
      pltpu.make_async_copy(cnt_out.at[0, pl.ds(0, ch)], ones_v, csem).wait()
      return 0
    lax.fori_loop(0, cpt // 2, cnt_drain, 0)

  plsc.subcore_barrier()

  pltpu.sync_copy(acc_sh.at[pl.ds(base, rows_per_tile)],
                  agg_out.at[c, pl.ds(base, rows_per_tile)])
  if with_cnt:
    pltpu.sync_copy(cnt_sh.at[pl.ds(base, rows_per_tile)],
                    cnt_out.at[c, pl.ds(base, rows_per_tile)])


def _make_sc_agg(with_cnt, n, e, hd):
  mesh = plsc.VectorSubcoreMesh(core_axis_name="c", subcore_axis_name="s")
  n_pad = _pad_rows(n)
  out_type = [jax.ShapeDtypeStruct((NC, n_pad, hd), jnp.float32)]
  scratch = [pltpu.VMEM((EDGE_CHUNK,), jnp.int32)] * NBUF
  scratch += [pltpu.VMEM((EDGE_CHUNK,), jnp.int32)] * NBUF
  scratch += [pltpu.VMEM((EDGE_CHUNK, hd), jnp.float32)] * NBUF
  if with_cnt:
    out_type.append(jax.ShapeDtypeStruct((NC, n_pad, LANES), jnp.float32))
    scratch.append(pltpu.VMEM((EDGE_CHUNK, LANES), jnp.float32))
  scratch.append(pltpu.VMEM_SHARED((n_pad, hd), jnp.float32))
  if with_cnt:
    scratch.append(pltpu.VMEM_SHARED((n_pad, LANES), jnp.float32))
  scratch += [pltpu.SemaphoreType.DMA] * (2 * NBUF)
  if with_cnt:
    scratch.append(pltpu.SemaphoreType.DMA)
  return pl.kernel(
      functools.partial(_sc_agg_body, with_cnt, n, e, hd),
      out_type=tuple(out_type),
      mesh=mesh,
      scratch_types=tuple(scratch),
      compiler_params=pltpu.CompilerParams(use_tc_tiling_on_sc=False),
  )


def _split_halves(h, n, hd):
  return jnp.stack([h[:, :hd], h[:, hd:]])


def _tc_xr_body(halves, x_ref, wrT_ref, bl_ref, o_ref):
  if halves:
    x = jnp.concatenate([x_ref[0], x_ref[1]], axis=1)
  else:
    x = x_ref[...]
  o_ref[...] = (jnp.dot(x, wrT_ref[...], preferred_element_type=jnp.float32)
                + bl_ref[...])


def _make_tc_xr(halves, n, d, block):
  grid = n // block
  hd = d // 2
  xspec = (pl.BlockSpec((NC, block, hd), lambda i: (0, i, 0)) if halves
           else pl.BlockSpec((block, d), lambda i: (i, 0)))
  return pl.pallas_call(
      functools.partial(_tc_xr_body, halves),
      grid=(grid,),
      in_specs=[
          xspec,
          pl.BlockSpec((d, d), lambda i: (0, 0)),
          pl.BlockSpec((1, d), lambda i: (0, 0)),
      ],
      out_specs=pl.BlockSpec((block, d), lambda i: (i, 0)),
      out_shape=jax.ShapeDtypeStruct((n, d), jnp.float32),
  )


def _tc_layer_body(relu, agg_ref, cntp_ref, xr_ref, wlT_ref, o_ref):
  agg = jnp.concatenate([agg_ref[0], agg_ref[1]], axis=1)
  cnt = cntp_ref[0, :, 0] + cntp_ref[1, :, 0]
  rc = 1.0 / jnp.maximum(cnt, 1.0)
  mean = agg * rc[:, None]
  h = (jnp.dot(mean, wlT_ref[...], preferred_element_type=jnp.float32)
       + xr_ref[...])
  h = jnp.maximum(h, 0.0) if relu else h
  hd = h.shape[1] // 2
  o_ref[0] = h[:, :hd]
  o_ref[1] = h[:, hd:]


def _make_tc_layer(relu, n, d, block):
  grid = n // block
  hd = d // 2
  return pl.pallas_call(
      functools.partial(_tc_layer_body, relu),
      grid=(grid,),
      in_specs=[
          pl.BlockSpec((NC, block, hd), lambda i: (0, i, 0)),
          pl.BlockSpec((NC, block, LANES), lambda i: (0, i, 0)),
          pl.BlockSpec((block, d), lambda i: (i, 0)),
          pl.BlockSpec((d, d), lambda i: (0, 0)),
      ],
      out_specs=pl.BlockSpec((NC, block, hd), lambda i: (0, i, 0)),
      out_shape=jax.ShapeDtypeStruct((NC, n, hd), jnp.float32),
  )


def _tc_final_body(g, block, agg_ref, cntp_ref, xr_ref, wlT_ref,
                   batch_ref, gf_ref, wgT_ref, bg_ref, woaT_ref,
                   wobT_ref, wocT_ref, bo_ref, o_ref, sum_acc, cnt_acc,
                   max_acc):
  i = pl.program_id(0)
  nblocks = pl.num_programs(0)

  @pl.when(i == 0)
  def _init():
    sum_acc[...] = jnp.zeros_like(sum_acc)
    cnt_acc[...] = jnp.zeros_like(cnt_acc)
    max_acc[...] = jnp.full_like(max_acc, -jnp.inf)

  agg = jnp.concatenate([agg_ref[0], agg_ref[1]], axis=1)
  cnt = cntp_ref[0, :, 0] + cntp_ref[1, :, 0]
  rc = 1.0 / jnp.maximum(cnt, 1.0)
  mean = agg * rc[:, None]
  h = (jnp.dot(mean, wlT_ref[...], preferred_element_type=jnp.float32)
       + xr_ref[...])

  bcol = batch_ref[...]
  gids = lax.broadcasted_iota(jnp.int32, (block, g), 1)
  onehot = (bcol == gids).astype(jnp.float32)
  sum_acc[...] += lax.dot_general(
      onehot, h, (((0,), (0,)), ((), ())),
      preferred_element_type=jnp.float32)
  cnt_acc[...] += lax.dot_general(
      onehot, jnp.ones_like(h), (((0,), (0,)), ((), ())),
      preferred_element_type=jnp.float32)

  d = h.shape[1]
  bb = jnp.broadcast_to(bcol, (block, d))
  hm = h
  k = 1
  while k < block:
    bs = pltpu.roll(bb, k, 0)
    hs = pltpu.roll(hm, k, 0)
    hm = jnp.maximum(hm, jnp.where(bb == bs, hs, -jnp.inf))
    k *= 2
  bnext = pltpu.roll(bb, block - 1, 0)
  rows = lax.broadcasted_iota(jnp.int32, (block, d), 0)
  is_last = (bb != bnext) | (rows == block - 1)
  lastcol = jnp.where(is_last[:, :1], 1.0, 0.0)
  oh_last = onehot * lastcol
  picked = lax.dot_general(oh_last, hm, (((0,), (0,)), ((), ())),
                           preferred_element_type=jnp.float32)
  pres = lax.dot_general(oh_last, jnp.ones_like(h), (((0,), (0,)), ((), ())),
                         preferred_element_type=jnp.float32)
  max_acc[...] = jnp.maximum(
      max_acc[...], jnp.where(pres > 0.5, picked, -jnp.inf))

  @pl.when(i == nblocks - 1)
  def _finish():
    mean_pool = sum_acc[...] * (1.0 / jnp.maximum(cnt_acc[...], 1.0))
    gft = (jnp.dot(gf_ref[...], wgT_ref[...],
                   preferred_element_type=jnp.float32) + bg_ref[...])
    logits = (jnp.dot(mean_pool, woaT_ref[...],
                      preferred_element_type=jnp.float32)
              + jnp.dot(max_acc[...], wobT_ref[...],
                        preferred_element_type=jnp.float32)
              + jnp.dot(gft, wocT_ref[...],
                        preferred_element_type=jnp.float32)
              + bo_ref[...])
    m = jnp.max(logits, axis=1, keepdims=True)
    lse = m + jnp.log(jnp.sum(jnp.exp(logits - m), axis=1, keepdims=True))
    o_ref[...] = logits - lse


def _make_tc_final(g, n, d, gf, block):
  grid = n // block
  hd = d // 2
  return pl.pallas_call(
      functools.partial(_tc_final_body, g, block),
      grid=(grid,),
      in_specs=[
          pl.BlockSpec((NC, block, hd), lambda i: (0, i, 0)),
          pl.BlockSpec((NC, block, LANES), lambda i: (0, i, 0)),
          pl.BlockSpec((block, d), lambda i: (i, 0)),
          pl.BlockSpec((d, d), lambda i: (0, 0)),
          pl.BlockSpec((block, 1), lambda i: (i, 0)),
          pl.BlockSpec((g, gf), lambda i: (0, 0)),
          pl.BlockSpec((gf, d), lambda i: (0, 0)),
          pl.BlockSpec((1, d), lambda i: (0, 0)),
          pl.BlockSpec((d, d), lambda i: (0, 0)),
          pl.BlockSpec((d, d), lambda i: (0, 0)),
          pl.BlockSpec((d, d), lambda i: (0, 0)),
          pl.BlockSpec((1, d), lambda i: (0, 0)),
      ],
      out_specs=pl.BlockSpec((g, d), lambda i: (0, 0)),
      out_shape=jax.ShapeDtypeStruct((g, d), jnp.float32),
      scratch_shapes=[
          pltpu.VMEM((g, d), jnp.float32),
          pltpu.VMEM((g, d), jnp.float32),
          pltpu.VMEM((g, d), jnp.float32),
      ],
  )


def kernel(x, edges_idx, batch_idx, g_features, Wl0, bl0, Wr0, Wl1, bl1, Wr1,
           Wg, bg, Wo, bo):
  n, d = x.shape
  e = edges_idx.shape[1]
  g, gf = g_features.shape
  hd = d // 2
  block = 2000

  src = edges_idx[0]
  dst = edges_idx[1]
  batch_col = batch_idx.reshape(n, 1)

  woT = Wo.T
  zpad = jnp.zeros((d, d - 2), jnp.float32)
  woaT = jnp.concatenate([woT[:d], zpad], axis=1)
  wobT = jnp.concatenate([woT[d:2 * d], zpad], axis=1)
  wocT = jnp.concatenate([woT[2 * d:], zpad], axis=1)
  bo_p = jnp.concatenate(
      [bo, jnp.full((d - 2,), -1e30, jnp.float32)]).reshape(1, d)

  sc_agg0 = _make_sc_agg(True, n, e, hd)
  sc_agg1 = _make_sc_agg(False, n, e, hd)
  tc_xr0 = _make_tc_xr(False, n, d, block)
  tc_xr1 = _make_tc_xr(True, n, d, block)
  tc_layer0 = _make_tc_layer(True, n, d, block)
  tc_final = _make_tc_final(g, n, d, gf, block)

  src2 = jnp.concatenate([src, src + n])
  x_halves = _split_halves(x, n, hd)
  xr0 = tc_xr0(x, Wr0.T, bl0.reshape(1, d))
  agg0, cntp = sc_agg0(x_halves.reshape(2 * n, hd), src2, dst)
  h0 = tc_layer0(agg0, cntp, xr0, Wl0.T)
  xr1 = tc_xr1(h0, Wr1.T, bl1.reshape(1, d))
  (agg1,) = sc_agg1(h0.reshape(2 * n, hd), src2, dst)
  out = tc_final(agg1, cntp, xr1, Wl1.T, batch_col,
                 g_features, Wg.T, bg.reshape(1, d), woaT, wobT, wocT, bo_p)
  return out[:, :2]

# --- scband reference (transcript-rebuilt; emitter-appended) ---
"""Pipeline reference for scband-sage-47914655154529 (READ-ONLY COPY).

The authoritative reference and input builder live on the scoring server;
editing this copy changes nothing except your own understanding.
"""

import jax, jax.numpy as jnp
import numpy as np

N = 10000
E = 320000
D = 128
EMB = 128
G = 64
GF = 16

def setup_inputs(seed: int = 0) -> dict:
    key = jax.random.key(seed)
    ks = jax.random.split(key, 16)
    x = jax.random.normal(ks[0], (N, D), dtype=jnp.float32)
    edges_idx = jax.random.randint(ks[1], (2, E), 0, N, dtype=jnp.int32)
    batch_idx = jnp.sort(jax.random.randint(ks[2], (N,), 0, G, dtype=jnp.int32))
    g_features = jax.random.normal(ks[3], (G, GF), dtype=jnp.float32)
    s0 = 1.0 / np.sqrt(D)
    s1 = 1.0 / np.sqrt(EMB)
    sg = 1.0 / np.sqrt(GF)
    so = 1.0 / np.sqrt(3 * EMB)
    Wl0 = jax.random.uniform(ks[4], (EMB, D), jnp.float32, -s0, s0)
    bl0 = jax.random.uniform(ks[5], (EMB,), jnp.float32, -s0, s0)
    Wr0 = jax.random.uniform(ks[6], (EMB, D), jnp.float32, -s0, s0)
    Wl1 = jax.random.uniform(ks[7], (EMB, EMB), jnp.float32, -s1, s1)
    bl1 = jax.random.uniform(ks[8], (EMB,), jnp.float32, -s1, s1)
    Wr1 = jax.random.uniform(ks[9], (EMB, EMB), jnp.float32, -s1, s1)
    Wg = jax.random.uniform(ks[10], (EMB, GF), jnp.float32, -sg, sg)
    bg = jax.random.uniform(ks[11], (EMB,), jnp.float32, -sg, sg)
    Wo = jax.random.uniform(ks[12], (2, 3 * EMB), jnp.float32, -so, so)
    bo = jax.random.uniform(ks[13], (2,), jnp.float32, -so, so)
    return {"x": x, "edges_idx": edges_idx, "batch_idx": batch_idx, "g_features": g_features,
            "Wl0": Wl0, "bl0": bl0, "Wr0": Wr0, "Wl1": Wl1, "bl1": bl1, "Wr1": Wr1,
            "Wg": Wg, "bg": bg, "Wo": Wo, "bo": bo}

def _sage_conv(x, edges_idx, Wl, bl, Wr):
    src = edges_idx[0]
    dst = edges_idx[1]
    msg = jnp.take(x, src, axis=0)
    agg = jax.ops.segment_sum(msg, dst, num_segments=N)
    cnt = jax.ops.segment_sum(jnp.ones((msg.shape[0], 1), x.dtype), dst, num_segments=N)
    agg = agg / jnp.clip(cnt, 1.0)
    return agg @ Wl.T + bl + x @ Wr.T

def reference(x, edges_idx, batch_idx, g_features, Wl0, bl0, Wr0, Wl1, bl1, Wr1, Wg, bg, Wo, bo):
    h = _sage_conv(x, edges_idx, Wl0, bl0, Wr0)
    h = jax.nn.relu(h)
    # dropout with training=False -> identity (eval mode)
    h = _sage_conv(h, edges_idx, Wl1, bl1, Wr1)
    seg_sum = jax.ops.segment_sum(h, batch_idx, num_segments=G)
    seg_cnt = jax.ops.segment_sum(jnp.ones((h.shape[0], 1), h.dtype), batch_idx, num_segments=G)
    mean_pool = seg_sum / jnp.clip(seg_cnt, 1.0)
    max_pool = jax.ops.segment_max(h, batch_idx, num_segments=G)
    flatten = jnp.concatenate([mean_pool, max_pool], axis=1)
    g_ft = g_features @ Wg.T + bg
    flatten = jnp.concatenate([flatten, g_ft], axis=1)
    out = flatten @ Wo.T + bo
    return jax.nn.log_softmax(out, axis=-1)

if __name__ == "__main__":
    import jax
    _d = setup_inputs()
    print(jax.jit(kernel)(*tuple(_d.values())))

</pallas_src>

<mosaic_0001>
#map = affine_map<(d0, d1) -> (0, 0)>
#map1 = affine_map<(d0, d1) -> (0)>
#map2 = affine_map<(d0, d1) -> (0, 0, 0)>
module attributes {stable_mosaic.version = 14 : i64} {
  func.func @_sc_agg_body(%arg0: i32, %arg1: i32, %arg2: memref<20000x64xf32, #tpu.memory_space<hbm>>, %arg3: memref<640000xi32, #tpu.memory_space<hbm>>, %arg4: memref<320000xi32, #tpu.memory_space<hbm>>, %arg5: memref<2x10112x64xf32, #tpu.memory_space<hbm>>, %arg6: memref<2x10112x16xf32, #tpu.memory_space<hbm>>, %arg7: memref<400xi32, #tpu.memory_space<vmem>>, %arg8: memref<400xi32, #tpu.memory_space<vmem>>, %arg9: memref<400xi32, #tpu.memory_space<vmem>>, %arg10: memref<400xi32, #tpu.memory_space<vmem>>, %arg11: memref<400x64xf32, #tpu.memory_space<vmem>>, %arg12: memref<400x64xf32, #tpu.memory_space<vmem>>, %arg13: memref<400x16xf32, #tpu.memory_space<vmem>>, %arg14: memref<10112x64xf32, #tpu.memory_space<vmem_shared>>, %arg15: memref<10112x16xf32, #tpu.memory_space<vmem_shared>>, %arg16: memref<!tpu.dma_semaphore, #tpu.memory_space<semaphore_mem>>, %arg17: memref<!tpu.dma_semaphore, #tpu.memory_space<semaphore_mem>>, %arg18: memref<!tpu.dma_semaphore, #tpu.memory_space<semaphore_mem>>, %arg19: memref<!tpu.dma_semaphore, #tpu.memory_space<semaphore_mem>>, %arg20: memref<!tpu.dma_semaphore, #tpu.memory_space<semaphore_mem>>) attributes {dimension_semantics = [#tpu.dimension_semantics<core_parallel>, #tpu.dimension_semantics<subcore_parallel>], iteration_bounds = array<i64: 2, 16>, scalar_prefetch = 0 : i64, scratch_operands = 14 : i64, tpu.core_type = #tpu.core_type<sc_vector_subcore>, window_params = [{transform_indices = #map}, {transform_indices = #map1}, {transform_indices = #map1}, {transform_indices = #map2}, {transform_indices = #map2}]} {
    %scan3A = arith.constant 0 : i32
    %scan3A_0 = arith.constant 0 : i32
    %scan3A_1 = arith.constant 400 : i32
    %scan3A_2 = arith.addi %scan3A_0, %scan3A_1 : i32
    %scan3A_3 = arith.constant 1 : i32
    %scan3A_4 = scf.for %scan3A_59 = %scan3A_0 to %scan3A_2 step %scan3A_3 iter_args(%scan3A_60 = %scan3A) -> (i32)  : i32 {
      %broadcast_in_dim3A = arith.constant 0.000000e+00 : f32
      %broadcast_in_dim3A_61 = vector.broadcast %broadcast_in_dim3A : f32 to vector<16xf32>
      %swap3A = arith.index_cast %scan3A_59 : i32 to index
      %swap3A_62 = arith.constant 0 : index
      %swap3A_63 = tpu.vector_load %arg11[%swap3A, %swap3A_62] {strides = array<i32>} : memref<400x64xf32, #tpu.memory_space<vmem>>, vector<1x16xf32>,
      %swap3A_64 = vector.shape_cast %swap3A_63 : vector<1x16xf32> to vector<16xf32>
      %swap3A_65 = vector.shape_cast %broadcast_in_dim3A_61 : vector<16xf32> to vector<1x16xf32>
      tpu.vector_store %arg11[%swap3A, %swap3A_62], %swap3A_65 {strides = array<i32>} : memref<400x64xf32, #tpu.memory_space<vmem>>, vector<1x16xf32>,
      %broadcast_in_dim3A_66 = arith.constant 0.000000e+00 : f32
      %broadcast_in_dim3A_67 = vector.broadcast %broadcast_in_dim3A_66 : f32 to vector<16xf32>
      %swap3A_68 = arith.index_cast %scan3A_59 : i32 to index
      %swap3A_69 = arith.constant 16 : index
      %swap3A_70 = tpu.vector_load %arg11[%swap3A_68, %swap3A_69] {strides = array<i32>} : memref<400x64xf32, #tpu.memory_space<vmem>>, vector<1x16xf32>,
      %swap3A_71 = vector.shape_cast %swap3A_70 : vector<1x16xf32> to vector<16xf32>
      %swap3A_72 = vector.shape_cast %broadcast_in_dim3A_67 : vector<16xf32> to vector<1x16xf32>
      tpu.vector_store %arg11[%swap3A_68, %swap3A_69], %swap3A_72 {strides = array<i32>} : memref<400x64xf32, #tpu.memory_space<vmem>>, vector<1x16xf32>,
      %broadcast_in_dim3A_73 = arith.constant 0.000000e+00 : f32
      %broadcast_in_dim3A_74 = vector.broadcast %broadcast_in_dim3A_73 : f32 to vector<16xf32>
      %swap3A_75 = arith.index_cast %scan3A_59 : i32 to index
      %swap3A_76 = arith.constant 32 : index
      %swap3A_77 = tpu.vector_load %arg11[%swap3A_75, %swap3A_76] {strides = array<i32>} : memref<400x64xf32, #tpu.memory_space<vmem>>, vector<1x16xf32>,
      %swap3A_78 = vector.shape_cast %swap3A_77 : vector<1x16xf32> to vector<16xf32>
      %swap3A_79 = vector.shape_cast %broadcast_in_dim3A_74 : vector<16xf32> to vector<1x16xf32>
      tpu.vector_store %arg11[%swap3A_75, %swap3A_76], %swap3A_79 {strides = array<i32>} : memref<400x64xf32, #tpu.memory_space<vmem>>, vector<1x16xf32>,
      %broadcast_in_dim3A_80 = arith.constant 0.000000e+00 : f32
      %broadcast_in_dim3A_81 = vector.broadcast %broadcast_in_dim3A_80 : f32 to vector<16xf32>
      %swap3A_82 = arith.index_cast %scan3A_59 : i32 to index
      %swap3A_83 = arith.constant 48 : index
      %swap3A_84 = tpu.vector_load %arg11[%swap3A_82, %swap3A_83] {strides = array<i32>} : memref<400x64xf32, #tpu.memory_space<vmem>>, vector<1x16xf32>,
      %swap3A_85 = vector.shape_cast %swap3A_84 : vector<1x16xf32> to vector<16xf32>
      %swap3A_86 = vector.shape_cast %broadcast_in_dim3A_81 : vector<16xf32> to vector<1x16xf32>
      tpu.vector_store %arg11[%swap3A_82, %swap3A_83], %swap3A_86 {strides = array<i32>} : memref<400x64xf32, #tpu.memory_space<vmem>>, vector<1x16xf32>,
      %scan3A_87 = arith.constant 0 : i32
      scf.yield %scan3A_87 : i32
    }
    %scan3A_5 = arith.constant 400 : i32
    %mul3A = arith.constant 632 : i32
    %mul3A_6 = arith.muli %arg1, %mul3A : i32
    %add3A = arith.constant 0 : i32
    %add3A_7 = arith.addi %mul3A_6, %add3A : i32
    "tpu.region"() ({
      %run_scoped3A = tpu.sem_alloc : memref<!tpu.dma_semaphore, #tpu.memory_space<semaphore_mem>>
      %dma_start3A = arith.constant 0 : i32
      %dma_start3A_59 = arith.constant 0 : i32
      %dma_start3A_60 = tpu.memref_slice %arg11[%dma_start3A, %dma_start3A_59] : memref<400x64xf32, #tpu.memory_space<vmem>> -> memref<400x64xf32, #tpu.memory_space<vmem>>
      %dma_start3A_61 = arith.constant 0 : i32
      %dma_start3A_62 = tpu.memref_slice %arg14[%add3A_7, %dma_start3A_61] : memref<10112x64xf32, #tpu.memory_space<vmem_shared>> -> memref<400x64xf32, #tpu.memory_space<vmem_shared>>
      %dma_start3A_63 = arith.constant 0 : i32
      %dma_start3A_64 = tpu.memref_slice %arg14[%add3A_7, %dma_start3A_63] : memref<10112x64xf32, #tpu.memory_space<vmem_shared>> -> memref<400x64xf32, #tpu.memory_space<vmem_shared>>
      %dma_start3A_65 = arith.constant 0 : i32
      %dma_start3A_66 = arith.constant 0 : i32
      %dma_start3A_67 = tpu.memref_slice %arg11[%dma_start3A_65, %dma_start3A_66] : memref<400x64xf32, #tpu.memory_space<vmem>> -> memref<400x64xf32, #tpu.memory_space<vmem>>
      tpu.enqueue_dma source(%dma_start3A_67 : memref<400x64xf32, #tpu.memory_space<vmem>>) target(%dma_start3A_64 : memref<400x64xf32, #tpu.memory_space<vmem_shared>>) target_semaphore(%run_scoped3A : memref<!tpu.dma_semaphore, #tpu.memory_space<semaphore_mem>>)
      %dma_wait3A_68 = arith.constant 0 : i32
      %dma_wait3A_69 = arith.constant 0 : i32
      %dma_wait3A_70 = tpu.memref_slice %arg11[%dma_wait3A_68, %dma_wait3A_69] : memref<400x64xf32, #tpu.memory_space<vmem>> -> memref<400x64xf32, #tpu.memory_space<vmem>>
      %dma_wait3A_71 = arith.constant 0 : i32
      %dma_wait3A_72 = tpu.memref_slice %arg14[%add3A_7, %dma_wait3A_71] : memref<10112x64xf32, #tpu.memory_space<vmem_shared>> -> memref<400x64xf32, #tpu.memory_space<vmem_shared>>
      %dma_wait3A_73 = arith.constant 0 : i32
      %dma_wait3A_74 = tpu.memref_slice %arg14[%add3A_7, %dma_wait3A_73] : memref<10112x64xf32, #tpu.memory_space<vmem_shared>> -> memref<400x64xf32, #tpu.memory_space<vmem_shared>>
      %dma_wait3A_75 = arith.constant 0 : i32
      %dma_wait3A_76 = arith.constant 0 : i32
      %dma_wait3A_77 = tpu.memref_slice %arg11[%dma_wait3A_75, %dma_wait3A_76] : memref<400x64xf32, #tpu.memory_space<vmem>> -> memref<400x64xf32, #tpu.memory_space<vmem>>
      tpu.wait_dma2 semaphore(%run_scoped3A : memref<!tpu.dma_semaphore, #tpu.memory_space<semaphore_mem>>) src(%dma_wait3A_77 : memref<400x64xf32, #tpu.memory_space<vmem>>) dst(%dma_wait3A_74 : memref<400x64xf32, #tpu.memory_space<vmem_shared>>)
      tpu.yield
    }) : () -> ()
    %add3A_8 = arith.constant 400 : i32
    %add3A_9 = arith.addi %mul3A_6, %add3A_8 : i32
    "tpu.region"() ({
      %run_scoped3A = tpu.sem_alloc : memref<!tpu.dma_semaphore, #tpu.memory_space<semaphore_mem>>
      %dma_start3A = arith.constant 0 : i32
      %dma_start3A_59 = arith.constant 0 : i32
      %dma_start3A_60 = tpu.memref_slice %arg11[%dma_start3A, %dma_start3A_59] : memref<400x64xf32, #tpu.memory_space<vmem>> -> memref<232x64xf32, #tpu.memory_space<vmem>>
      %dma_start3A_61 = arith.constant 0 : i32
      %dma_start3A_62 = tpu.memref_slice %arg14[%add3A_9, %dma_start3A_61] : memref<10112x64xf32, #tpu.memory_space<vmem_shared>> -> memref<232x64xf32, #tpu.memory_space<vmem_shared>>
      %dma_start3A_63 = arith.constant 0 : i32
      %dma_start3A_64 = tpu.memref_slice %arg14[%add3A_9, %dma_start3A_63] : memref<10112x64xf32, #tpu.memory_space<vmem_shared>> -> memref<232x64xf32, #tpu.memory_space<vmem_shared>>
      %dma_start3A_65 = arith.constant 0 : i32
      %dma_start3A_66 = arith.constant 0 : i32
      %dma_start3A_67 = tpu.memref_slice %arg11[%dma_start3A_65, %dma_start3A_66] : memref<400x64xf32, #tpu.memory_space<vmem>> -> memref<232x64xf32, #tpu.memory_space<vmem>>
      tpu.enqueue_dma source(%dma_start3A_67 : memref<232x64xf32, #tpu.memory_space<vmem>>) target(%dma_start3A_64 : memref<232x64xf32, #tpu.memory_space<vmem_shared>>) target_semaphore(%run_scoped3A : memref<!tpu.dma_semaphore, #tpu.memory_space<semaphore_mem>>)
      %dma_wait3A_68 = arith.constant 0 : i32
      %dma_wait3A_69 = arith.constant 0 : i32
      %dma_wait3A_70 = tpu.memref_slice %arg11[%dma_wait3A_68, %dma_wait3A_69] : memref<400x64xf32, #tpu.memory_space<vmem>> -> memref<232x64xf32, #tpu.memory_space<vmem>>
      %dma_wait3A_71 = arith.constant 0 : i32
      %dma_wait3A_72 = tpu.memref_slice %arg14[%add3A_9, %dma_wait3A_71] : memref<10112x64xf32, #tpu.memory_space<vmem_shared>> -> memref<232x64xf32, #tpu.memory_space<vmem_shared>>
      %dma_wait3A_73 = arith.constant 0 : i32
      %dma_wait3A_74 = tpu.memref_slice %arg14[%add3A_9, %dma_wait3A_73] : memref<10112x64xf32, #tpu.memory_space<vmem_shared>> -> memref<232x64xf32, #tpu.memory_space<vmem_shared>>
      %dma_wait3A_75 = arith.constant 0 : i32
      %dma_wait3A_76 = arith.constant 0 : i32
      %dma_wait3A_77 = tpu.memref_slice %arg11[%dma_wait3A_75, %dma_wait3A_76] : memref<400x64xf32, #tpu.memory_space<vmem>> -> memref<232x64xf32, #tpu.memory_space<vmem>>
      tpu.wait_dma2 semaphore(%run_scoped3A : memref<!tpu.dma_semaphore, #tpu.memory_space<semaphore_mem>>) src(%dma_wait3A_77 : memref<232x64xf32, #tpu.memory_space<vmem>>) dst(%dma_wait3A_74 : memref<232x64xf32, #tpu.memory_space<vmem_shared>>)
      tpu.yield
    }) : () -> ()
    %scan3A_10 = arith.constant 0 : i32
    %scan3A_11 = arith.constant 0 : i32
    %scan3A_12 = arith.constant 400 : i32
    %scan3A_13 = arith.addi %scan3A_11, %scan3A_12 : i32
    %scan3A_14 = arith.constant 1 : i32
    %scan3A_15 = scf.for %scan3A_59 = %scan3A_11 to %scan3A_13 step %scan3A_14 iter_args(%scan3A_60 = %scan3A_10) -> (i32)  : i32 {
      %broadcast_in_dim3A = arith.constant 0.000000e+00 : f32
      %broadcast_in_dim3A_61 = vector.broadcast %broadcast_in_dim3A : f32 to vector<16xf32>
      %swap3A = arith.index_cast %scan3A_59 : i32 to index
      %swap3A_62 = arith.constant 0 : index
      %swap3A_63 = tpu.vector_load %arg13[%swap3A, %swap3A_62] {strides = array<i32>} : memref<400x16xf32, #tpu.memory_space<vmem>>, vector<1x16xf32>,
      %swap3A_64 = vector.shape_cast %swap3A_63 : vector<1x16xf32> to vector<16xf32>
      %swap3A_65 = vector.shape_cast %broadcast_in_dim3A_61 : vector<16xf32> to vector<1x16xf32>
      tpu.vector_store %arg13[%swap3A, %swap3A_62], %swap3A_65 {strides = array<i32>} : memref<400x16xf32, #tpu.memory_space<vmem>>, vector<1x16xf32>,
      %scan3A_66 = arith.constant 0 : i32
      scf.yield %scan3A_66 : i32
    }
    %scan3A_16 = arith.constant 400 : i32
    %add3A_17 = arith.constant 0 : i32
    %add3A_18 = arith.addi %mul3A_6, %add3A_17 : i32
    "tpu.region"() ({
      %run_scoped3A = tpu.sem_alloc : memref<!tpu.dma_semaphore, #tpu.memory_space<semaphore_mem>>
      %dma_start3A = arith.constant 0 : i32
      %dma_start3A_59 = arith.constant 0 : i32
      %dma_start3A_60 = tpu.memref_slice %arg13[%dma_start3A, %dma_start3A_59] : memref<400x16xf32, #tpu.memory_space<vmem>> -> memref<400x16xf32, #tpu.memory_space<vmem>>
      %dma_start3A_61 = arith.constant 0 : i32
      %dma_start3A_62 = tpu.memref_slice %arg15[%add3A_18, %dma_start3A_61] : memref<10112x16xf32, #tpu.memory_space<vmem_shared>> -> memref<400x16xf32, #tpu.memory_space<vmem_shared>>
      %dma_start3A_63 = arith.constant 0 : i32
      %dma_start3A_64 = tpu.memref_slice %arg15[%add3A_18, %dma_start3A_63] : memref<10112x16xf32, #tpu.memory_space<vmem_shared>> -> memref<400x16xf32, #tpu.memory_space<vmem_shared>>
      %dma_start3A_65 = arith.constant 0 : i32
      %dma_start3A_66 = arith.constant 0 : i32
      %dma_start3A_67 = tpu.memref_slice %arg13[%dma_start3A_65, %dma_start3A_66] : memref<400x16xf32, #tpu.memory_space<vmem>> -> memref<400x16xf32, #tpu.memory_space<vmem>>
      tpu.enqueue_dma source(%dma_start3A_67 : memref<400x16xf32, #tpu.memory_space<vmem>>) target(%dma_start3A_64 : memref<400x16xf32, #tpu.memory_space<vmem_shared>>) target_semaphore(%run_scoped3A : memref<!tpu.dma_semaphore, #tpu.memory_space<semaphore_mem>>)
      %dma_wait3A_68 = arith.constant 0 : i32
      %dma_wait3A_69 = arith.constant 0 : i32
      %dma_wait3A_70 = tpu.memref_slice %arg13[%dma_wait3A_68, %dma_wait3A_69] : memref<400x16xf32, #tpu.memory_space<vmem>> -> memref<400x16xf32, #tpu.memory_space<vmem>>
      %dma_wait3A_71 = arith.constant 0 : i32
      %dma_wait3A_72 = tpu.memref_slice %arg15[%add3A_18, %dma_wait3A_71] : memref<10112x16xf32, #tpu.memory_space<vmem_shared>> -> memref<400x16xf32, #tpu.memory_space<vmem_shared>>
      %dma_wait3A_73 = arith.constant 0 : i32
      %dma_wait3A_74 = tpu.memref_slice %arg15[%add3A_18, %dma_wait3A_73] : memref<10112x16xf32, #tpu.memory_space<vmem_shared>> -> memref<400x16xf32, #tpu.memory_space<vmem_shared>>
      %dma_wait3A_75 = arith.constant 0 : i32
      %dma_wait3A_76 = arith.constant 0 : i32
      %dma_wait3A_77 = tpu.memref_slice %arg13[%dma_wait3A_75, %dma_wait3A_76] : memref<400x16xf32, #tpu.memory_space<vmem>> -> memref<400x16xf32, #tpu.memory_space<vmem>>
      tpu.wait_dma2 semaphore(%run_scoped3A : memref<!tpu.dma_semaphore, #tpu.memory_space<semaphore_mem>>) src(%dma_wait3A_77 : memref<400x16xf32, #tpu.memory_space<vmem>>) dst(%dma_wait3A_74 : memref<400x16xf32, #tpu.memory_space<vmem_shared>>)
      tpu.yield
    }) : () -> ()
    %add3A_19 = arith.constant 400 : i32
    %add3A_20 = arith.addi %mul3A_6, %add3A_19 : i32
    "tpu.region"() ({
      %run_scoped3A = tpu.sem_alloc : memref<!tpu.dma_semaphore, #tpu.memory_space<semaphore_mem>>
      %dma_start3A = arith.constant 0 : i32
      %dma_start3A_59 = arith.constant 0 : i32
      %dma_start3A_60 = tpu.memref_slice %arg13[%dma_start3A, %dma_start3A_59] : memref<400x16xf32, #tpu.memory_space<vmem>> -> memref<232x16xf32, #tpu.memory_space<vmem>>
      %dma_start3A_61 = arith.constant 0 : i32
      %dma_start3A_62 = tpu.memref_slice %arg15[%add3A_20, %dma_start3A_61] : memref<10112x16xf32, #tpu.memory_space<vmem_shared>> -> memref<232x16xf32, #tpu.memory_space<vmem_shared>>
      %dma_start3A_63 = arith.constant 0 : i32
      %dma_start3A_64 = tpu.memref_slice %arg15[%add3A_20, %dma_start3A_63] : memref<10112x16xf32, #tpu.memory_space<vmem_shared>> -> memref<232x16xf32, #tpu.memory_space<vmem_shared>>
      %dma_start3A_65 = arith.constant 0 : i32
      %dma_start3A_66 = arith.constant 0 : i32
      %dma_start3A_67 = tpu.memref_slice %arg13[%dma_start3A_65, %dma_start3A_66] : memref<400x16xf32, #tpu.memory_space<vmem>> -> memref<232x16xf32, #tpu.memory_space<vmem>>
      tpu.enqueue_dma source(%dma_start3A_67 : memref<232x16xf32, #tpu.memory_space<vmem>>) target(%dma_start3A_64 : memref<232x16xf32, #tpu.memory_space<vmem_shared>>) target_semaphore(%run_scoped3A : memref<!tpu.dma_semaphore, #tpu.memory_space<semaphore_mem>>)
      %dma_wait3A_68 = arith.constant 0 : i32
      %dma_wait3A_69 = arith.constant 0 : i32
      %dma_wait3A_70 = tpu.memref_slice %arg13[%dma_wait3A_68, %dma_wait3A_69] : memref<400x16xf32, #tpu.memory_space<vmem>> -> memref<232x16xf32, #tpu.memory_space<vmem>>
      %dma_wait3A_71 = arith.constant 0 : i32
      %dma_wait3A_72 = tpu.memref_slice %arg15[%add3A_20, %dma_wait3A_71] : memref<10112x16xf32, #tpu.memory_space<vmem_shared>> -> memref<232x16xf32, #tpu.memory_space<vmem_shared>>
      %dma_wait3A_73 = arith.constant 0 : i32
      %dma_wait3A_74 = tpu.memref_slice %arg15[%add3A_20, %dma_wait3A_73] : memref<10112x16xf32, #tpu.memory_space<vmem_shared>> -> memref<232x16xf32, #tpu.memory_space<vmem_shared>>
      %dma_wait3A_75 = arith.constant 0 : i32
      %dma_wait3A_76 = arith.constant 0 : i32
      %dma_wait3A_77 = tpu.memref_slice %arg13[%dma_wait3A_75, %dma_wait3A_76] : memref<400x16xf32, #tpu.memory_space<vmem>> -> memref<232x16xf32, #tpu.memory_space<vmem>>
      tpu.wait_dma2 semaphore(%run_scoped3A : memref<!tpu.dma_semaphore, #tpu.memory_space<semaphore_mem>>) src(%dma_wait3A_77 : memref<232x16xf32, #tpu.memory_space<vmem>>) dst(%dma_wait3A_74 : memref<232x16xf32, #tpu.memory_space<vmem_shared>>)
      tpu.yield
    }) : () -> ()
    %scan3A_21 = arith.constant 0 : i32
    %scan3A_22 = arith.constant 0 : i32
    %scan3A_23 = arith.constant 400 : i32
    %scan3A_24 = arith.addi %scan3A_22, %scan3A_23 : i32
    %scan3A_25 = arith.constant 1 : i32
    %scan3A_26 = scf.for %scan3A_59 = %scan3A_22 to %scan3A_24 step %scan3A_25 iter_args(%scan3A_60 = %scan3A_21) -> (i32)  : i32 {
      %broadcast_in_dim3A = arith.constant 1.000000e+00 : f32
      %broadcast_in_dim3A_61 = vector.broadcast %broadcast_in_dim3A : f32 to vector<16xf32>
      %swap3A = arith.index_cast %scan3A_59 : i32 to index
      %swap3A_62 = arith.constant 0 : index
      %swap3A_63 = tpu.vector_load %arg13[%swap3A, %swap3A_62] {strides = array<i32>} : memref<400x16xf32, #tpu.memory_space<vmem>>, vector<1x16xf32>,
      %swap3A_64 = vector.shape_cast %swap3A_63 : vector<1x16xf32> to vector<16xf32>
      %swap3A_65 = vector.shape_cast %broadcast_in_dim3A_61 : vector<16xf32> to vector<1x16xf32>
      tpu.vector_store %arg13[%swap3A, %swap3A_62], %swap3A_65 {strides = array<i32>} : memref<400x16xf32, #tpu.memory_space<vmem>>, vector<1x16xf32>,
      %scan3A_66 = arith.constant 0 : i32
      scf.yield %scan3A_66 : i32
    }
    %scan3A_27 = arith.constant 400 : i32
    %barrier3A = arith.constant 0 : index
    tpu.barrier barrier_id(%barrier3A)
    %mul3A_28 = arith.constant 20000 : i32
    %mul3A_29 = arith.muli %arg1, %mul3A_28 : i32
    %mul3A_30 = arith.constant 320000 : i32
    %mul3A_31 = arith.muli %arg0, %mul3A_30 : i32
    %add3A_32 = arith.addi %mul3A_31, %mul3A_29 : i32
    %scan3A_33 = arith.constant 0 : i32
    %scan3A_34 = arith.constant 0 : i32
    %scan3A_35 = arith.constant 25 : i32
    %scan3A_36 = arith.addi %scan3A_34, %scan3A_35 : i32
    %scan3A_37 = arith.constant 1 : i32
    %scan3A_38 = scf.for %scan3A_59 = %scan3A_34 to %scan3A_36 step %scan3A_37 iter_args(%scan3A_60 = %scan3A_33) -> (i32)  : i32 {
      %mul3A_61 = arith.constant 2 : i32
      %mul3A_62 = arith.muli %mul3A_61, %scan3A_59 : i32
      %mul3A_63 = arith.constant 400 : i32
      %mul3A_64 = arith.muli %mul3A_62, %mul3A_63 : i32
      %add3A_65 = arith.constant 0 : i32
      %add3A_66 = arith.addi %mul3A_64, %add3A_65 : i32
      %gt3A = arith.constant 0 : i32
      %gt3A_67 = arith.cmpi sgt, %scan3A_59, %gt3A : i32
      %convert_element_type3A = arith.extui %gt3A_67 : i1 to i32
      %cond3A = arith.constant 0 : i32
      %cond3A_68 = arith.cmpi ne, %convert_element_type3A, %cond3A : i32
      scf.if %cond3A_68 {
        %dma_wait3A_145 = arith.constant 0 : i32
        %dma_wait3A_146 = arith.constant 0 : i32
        %dma_wait3A_147 = tpu.memref_slice %arg2[%dma_wait3A_145, %dma_wait3A_146] : memref<20000x64xf32, #tpu.memory_space<hbm>> -> memref<400x64xf32, #tpu.memory_space<hbm>>
        %dma_wait3A_148 = arith.constant 0 : i32
        %dma_wait3A_149 = arith.constant 0 : i32
        %dma_wait3A_150 = tpu.memref_slice %arg2[%dma_wait3A_148, %dma_wait3A_149] : memref<20000x64xf32, #tpu.memory_space<hbm>> -> memref<400x64xf32, #tpu.memory_space<hbm>>
        tpu.wait_dma2 semaphore(%arg18 : memref<!tpu.dma_semaphore, #tpu.memory_space<semaphore_mem>>) src(%dma_wait3A_150 : memref<400x64xf32, #tpu.memory_space<hbm>>) dst(%arg11 : memref<400x64xf32, #tpu.memory_space<vmem>>)
      } else {
      }
      %add3A_69 = arith.addi %add3A_32, %add3A_66 : i32
      "tpu.region"() ({
        %run_scoped3A = tpu.sem_alloc : memref<!tpu.dma_semaphore, #tpu.memory_space<semaphore_mem>>
        %dma_start3A_145 = tpu.memref_slice %arg3[%add3A_69] : memref<640000xi32, #tpu.memory_space<hbm>> -> memref<400xi32, #tpu.memory_space<hbm>>
        %dma_start3A_146 = tpu.memref_slice %arg3[%add3A_69] : memref<640000xi32, #tpu.memory_space<hbm>> -> memref<400xi32, #tpu.memory_space<hbm>>
        tpu.enqueue_dma source(%dma_start3A_146 : memref<400xi32, #tpu.memory_space<hbm>>) target(%arg7 : memref<400xi32, #tpu.memory_space<vmem>>) target_semaphore(%run_scoped3A : memref<!tpu.dma_semaphore, #tpu.memory_space<semaphore_mem>>)
        %dma_wait3A_147 = tpu.memref_slice %arg3[%add3A_69] : memref<640000xi32, #tpu.memory_space<hbm>> -> memref<400xi32, #tpu.memory_space<hbm>>
        %dma_wait3A_148 = tpu.memref_slice %arg3[%add3A_69] : memref<640000xi32, #tpu.memory_space<hbm>> -> memref<400xi32, #tpu.memory_space<hbm>>
        tpu.wait_dma2 semaphore(%run_scoped3A : memref<!tpu.dma_semaphore, #tpu.memory_space<semaphore_mem>>) src(%dma_wait3A_148 : memref<400xi32, #tpu.memory_space<hbm>>) dst(%arg7 : memref<400xi32, #tpu.memory_space<vmem>>)
        tpu.yield
      }) : () -> ()
      %add3A_70 = arith.addi %mul3A_29, %add3A_66 : i32
      "tpu.region"() ({
        %run_scoped3A = tpu.sem_alloc : memref<!tpu.dma_semaphore, #tpu.memory_space<semaphore_mem>>
        %dma_start3A_145 = tpu.memref_slice %arg4[%add3A_70] : memref<320000xi32, #tpu.memory_space<hbm>> -> memref<400xi32, #tpu.memory_space<hbm>>
        %dma_start3A_146 = tpu.memref_slice %arg4[%add3A_70] : memref<320000xi32, #tpu.memory_space<hbm>> -> memref<400xi32, #tpu.memory_space<hbm>>
        tpu.enqueue_dma source(%dma_start3A_146 : memref<400xi32, #tpu.memory_space<hbm>>) target(%arg9 : memref<400xi32, #tpu.memory_space<vmem>>) target_semaphore(%run_scoped3A : memref<!tpu.dma_semaphore, #tpu.memory_space<semaphore_mem>>)
        %dma_wait3A_147 = tpu.memref_slice %arg4[%add3A_70] : memref<320000xi32, #tpu.memory_space<hbm>> -> memref<400xi32, #tpu.memory_space<hbm>>
        %dma_wait3A_148 = tpu.memref_slice %arg4[%add3A_70] : memref<320000xi32, #tpu.memory_space<hbm>> -> memref<400xi32, #tpu.memory_space<hbm>>
        tpu.wait_dma2 semaphore(%run_scoped3A : memref<!tpu.dma_semaphore, #tpu.memory_space<semaphore_mem>>) src(%dma_wait3A_148 : memref<400xi32, #tpu.memory_space<hbm>>) dst(%arg9 : memref<400xi32, #tpu.memory_space<vmem>>)
        tpu.yield
      }) : () -> ()
      %dma_start3A = arith.constant 0 : i32
      %dma_start3A_71 = arith.constant 0 : i32
      %dma_start3A_72 = tpu.memref_slice %arg2[%dma_start3A, %dma_start3A_71] : memref<20000x64xf32, #tpu.memory_space<hbm>> -> memref<20000x64xf32, #tpu.memory_space<hbm>>
      tpu.enqueue_indirect_dma source(%dma_start3A_72 : memref<20000x64xf32, #tpu.memory_space<hbm>>) target(%arg11 : memref<400x64xf32, #tpu.memory_space<vmem>>) offsets(%arg7 : memref<400xi32, #tpu.memory_space<vmem>>) semaphore(%arg16 : memref<!tpu.dma_semaphore, #tpu.memory_space<semaphore_mem>>)
      %add3A_73 = arith.constant 400 : i32
      %add3A_74 = arith.addi %mul3A_64, %add3A_73 : i32
      %gt3A_75 = arith.constant 0 : i32
      %gt3A_76 = arith.cmpi sgt, %scan3A_59, %gt3A_75 : i32
      %convert_element_type3A_77 = arith.extui %gt3A_76 : i1 to i32
      %cond3A_78 = arith.constant 0 : i32
      %cond3A_79 = arith.cmpi ne, %convert_element_type3A_77, %cond3A_78 : i32
      scf.if %cond3A_79 {
        %dma_wait3A_145 = arith.constant 0 : i32
        %dma_wait3A_146 = arith.constant 0 : i32
        %dma_wait3A_147 = tpu.memref_slice %arg2[%dma_wait3A_145, %dma_wait3A_146] : memref<20000x64xf32, #tpu.memory_space<hbm>> -> memref<400x64xf32, #tpu.memory_space<hbm>>
        %dma_wait3A_148 = arith.constant 0 : i32
        %dma_wait3A_149 = arith.constant 0 : i32
        %dma_wait3A_150 = tpu.memref_slice %arg2[%dma_wait3A_148, %dma_wait3A_149] : memref<20000x64xf32, #tpu.memory_space<hbm>> -> memref<400x64xf32, #tpu.memory_space<hbm>>
        tpu.wait_dma2 semaphore(%arg19 : memref<!tpu.dma_semaphore, #tpu.memory_space<semaphore_mem>>) src(%dma_wait3A_150 : memref<400x64xf32, #tpu.memory_space<hbm>>) dst(%arg12 : memref<400x64xf32, #tpu.memory_space<vmem>>)
      } else {
      }
      %add3A_80 = arith.addi %add3A_32, %add3A_74 : i32
      "tpu.region"() ({
        %run_scoped3A = tpu.sem_alloc : memref<!tpu.dma_semaphore, #tpu.memory_space<semaphore_mem>>
        %dma_start3A_145 = tpu.memref_slice %arg3[%add3A_80] : memref<640000xi32, #tpu.memory_space<hbm>> -> memref<400xi32, #tpu.memory_space<hbm>>
        %dma_start3A_146 = tpu.memref_slice %arg3[%add3A_80] : memref<640000xi32, #tpu.memory_space<hbm>> -> memref<400xi32, #tpu.memory_space<hbm>>
        tpu.enqueue_dma source(%dma_start3A_146 : memref<400xi32, #tpu.memory_space<hbm>>) target(%arg8 : memref<400xi32, #tpu.memory_space<vmem>>) target_semaphore(%run_scoped3A : memref<!tpu.dma_semaphore, #tpu.memory_space<semaphore_mem>>)
        %dma_wait3A_147 = tpu.memref_slice %arg3[%add3A_80] : memref<640000xi32, #tpu.memory_space<hbm>> -> memref<400xi32, #tpu.memory_space<hbm>>
        %dma_wait3A_148 = tpu.memref_slice %arg3[%add3A_80] : memref<640000xi32, #tpu.memory_space<hbm>> -> memref<400xi32, #tpu.memory_space<hbm>>
        tpu.wait_dma2 semaphore(%run_scoped3A : memref<!tpu.dma_semaphore, #tpu.memory_space<semaphore_mem>>) src(%dma_wait3A_148 : memref<400xi32, #tpu.memory_space<hbm>>) dst(%arg8 : memref<400xi32, #tpu.memory_space<vmem>>)
        tpu.yield
      }) : () -> ()
      %add3A_81 = arith.addi %mul3A_29, %add3A_74 : i32
      "tpu.region"() ({
        %run_scoped3A = tpu.sem_alloc : memref<!tpu.dma_semaphore, #tpu.memory_space<semaphore_mem>>
        %dma_start3A_145 = tpu.memref_slice %arg4[%add3A_81] : memref<320000xi32, #tpu.memory_space<hbm>> -> memref<400xi32, #tpu.memory_space<hbm>>
        %dma_start3A_146 = tpu.memref_slice %arg4[%add3A_81] : memref<320000xi32, #tpu.memory_space<hbm>> -> memref<400xi32, #tpu.memory_space<hbm>>
        tpu.enqueue_dma source(%dma_start3A_146 : memref<400xi32, #tpu.memory_space<hbm>>) target(%arg10 : memref<400xi32, #tpu.memory_space<vmem>>) target_semaphore(%run_scoped3A : memref<!tpu.dma_semaphore, #tpu.memory_space<semaphore_mem>>)
        %dma_wait3A_147 = tpu.memref_slice %arg4[%add3A_81] : memref<320000xi32, #tpu.memory_space<hbm>> -> memref<400xi32, #tpu.memory_space<hbm>>
        %dma_wait3A_148 = tpu.memref_slice %arg4[%add3A_81] : memref<320000xi32, #tpu.memory_space<hbm>> -> memref<400xi32, #tpu.memory_space<hbm>>
        tpu.wait_dma2 semaphore(%run_scoped3A : memref<!tpu.dma_semaphore, #tpu.memory_space<semaphore_mem>>) src(%dma_wait3A_148 : memref<400xi32, #tpu.memory_space<hbm>>) dst(%arg10 : memref<400xi32, #tpu.memory_space<vmem>>)
        tpu.yield
      }) : () -> ()
      %dma_start3A_82 = arith.constant 0 : i32
      %dma_start3A_83 = arith.constant 0 : i32
      %dma_start3A_84 = tpu.memref_slice %arg2[%dma_start3A_82, %dma_start3A_83] : memref<20000x64xf32, #tpu.memory_space<hbm>> -> memref<20000x64xf32, #tpu.memory_space<hbm>>
      tpu.enqueue_indirect_dma source(%dma_start3A_84 : memref<20000x64xf32, #tpu.memory_space<hbm>>) target(%arg12 : memref<400x64xf32, #tpu.memory_space<vmem>>) offsets(%arg8 : memref<400xi32, #tpu.memory_space<vmem>>) semaphore(%arg17 : memref<!tpu.dma_semaphore, #tpu.memory_space<semaphore_mem>>)
      %dma_wait3A_85 = arith.constant 0 : i32
      %dma_wait3A_86 = arith.constant 0 : i32
      %dma_wait3A_87 = tpu.memref_slice %arg2[%dma_wait3A_85, %dma_wait3A_86] : memref<20000x64xf32, #tpu.memory_space<hbm>> -> memref<400x64xf32, #tpu.memory_space<hbm>>
      %dma_wait3A_88 = arith.constant 0 : i32
      %dma_wait3A_89 = arith.constant 0 : i32
      %dma_wait3A_90 = tpu.memref_slice %arg2[%dma_wait3A_88, %dma_wait3A_89] : memref<20000x64xf32, #tpu.memory_space<hbm>> -> memref<400x64xf32, #tpu.memory_space<hbm>>
      tpu.wait_dma2 semaphore(%arg16 : memref<!tpu.dma_semaphore, #tpu.memory_space<semaphore_mem>>) src(%dma_wait3A_90 : memref<400x64xf32, #tpu.memory_space<hbm>>) dst(%arg11 : memref<400x64xf32, #tpu.memory_space<vmem>>)
      %dma_start3A_91 = arith.constant 0 : i32
      %dma_start3A_92 = arith.constant 0 : i32
      %dma_start3A_93 = tpu.memref_slice %arg14[%dma_start3A_91, %dma_start3A_92] : memref<10112x64xf32, #tpu.memory_space<vmem_shared>> -> memref<10112x64xf32, #tpu.memory_space<vmem_shared>>
      tpu.enqueue_indirect_dma source(%arg11 : memref<400x64xf32, #tpu.memory_space<vmem>>) target(%dma_start3A_93 : memref<10112x64xf32, #tpu.memory_space<vmem_shared>>) offsets(%arg9 : memref<400xi32, #tpu.memory_space<vmem>>) semaphore(%arg18 : memref<!tpu.dma_semaphore, #tpu.memory_space<semaphore_mem>>) {add = true}
      %mul3A_94 = arith.constant 2 : i32
      %mul3A_95 = arith.muli %mul3A_94, %scan3A_59 : i32
      %add3A_96 = arith.constant 0 : i32
      %add3A_97 = arith.addi %mul3A_95, %add3A_96 : i32
      %jit3A = arith.constant 2 : i32
      %eq3A = arith.constant 0 : i32
      %eq3A_98 = arith.cmpi eq, %jit3A, %eq3A : i32
      %jit3A_99 = arith.constant 1 : i32
      %select_n3A = arith.select %eq3A_98, %jit3A_99, %jit3A : i32
      %rem3A = arith.remsi %add3A_97, %select_n3A : i32
      %ne3A = arith.constant 0 : i32
      %ne3A_100 = arith.cmpi ne, %rem3A, %ne3A : i32
      %lt3A = arith.constant 0 : i32
      %lt3A_101 = arith.cmpi slt, %rem3A, %lt3A : i32
      %lt3A_102 = arith.constant 0 : i32
      %lt3A_103 = arith.cmpi slt, %select_n3A, %lt3A_102 : i32
      %ne3A_104 = arith.xori %lt3A_101, %lt3A_103 : i1
      %and3A = arith.andi %ne3A_104, %ne3A_100 : i1
      %add3A_105 = arith.addi %rem3A, %select_n3A : i32
      %select_n3A_106 = arith.select %and3A, %add3A_105, %rem3A : i32
      %eq3A_107 = arith.cmpi eq, %arg0, %select_n3A_106 : i32
      %convert_element_type3A_108 = arith.extui %eq3A_107 : i1 to i32
      %cond3A_109 = arith.constant 0 : i32
      %cond3A_110 = arith.cmpi ne, %convert_element_type3A_108, %cond3A_109 : i32
      scf.if %cond3A_110 {
        %dma_start3A_145 = arith.constant 0 : i32
        %dma_start3A_146 = arith.constant 0 : i32
        %dma_start3A_147 = tpu.memref_slice %arg15[%dma_start3A_145, %dma_start3A_146] : memref<10112x16xf32, #tpu.memory_space<vmem_shared>> -> memref<10112x16xf32, #tpu.memory_space<vmem_shared>>
        tpu.enqueue_indirect_dma source(%arg13 : memref<400x16xf32, #tpu.memory_space<vmem>>) target(%dma_start3A_147 : memref<10112x16xf32, #tpu.memory_space<vmem_shared>>) offsets(%arg9 : memref<400xi32, #tpu.memory_space<vmem>>) semaphore(%arg20 : memref<!tpu.dma_semaphore, #tpu.memory_space<semaphore_mem>>) {add = true}
      } else {
      }
      %dma_wait3A_111 = arith.constant 0 : i32
      %dma_wait3A_112 = arith.constant 0 : i32
      %dma_wait3A_113 = tpu.memref_slice %arg2[%dma_wait3A_111, %dma_wait3A_112] : memref<20000x64xf32, #tpu.memory_space<hbm>> -> memref<400x64xf32, #tpu.memory_space<hbm>>
      %dma_wait3A_114 = arith.constant 0 : i32
      %dma_wait3A_115 = arith.constant 0 : i32
      %dma_wait3A_116 = tpu.memref_slice %arg2[%dma_wait3A_114, %dma_wait3A_115] : memref<20000x64xf32, #tpu.memory_space<hbm>> -> memref<400x64xf32, #tpu.memory_space<hbm>>
      tpu.wait_dma2 semaphore(%arg17 : memref<!tpu.dma_semaphore, #tpu.memory_space<semaphore_mem>>) src(%dma_wait3A_116 : memref<400x64xf32, #tpu.memory_space<hbm>>) dst(%arg12 : memref<400x64xf32, #tpu.memory_space<vmem>>)
      %dma_start3A_117 = arith.constant 0 : i32
      %dma_start3A_118 = arith.constant 0 : i32
      %dma_start3A_119 = tpu.memref_slice %arg14[%dma_start3A_117, %dma_start3A_118] : memref<10112x64xf32, #tpu.memory_space<vmem_shared>> -> memref<10112x64xf32, #tpu.memory_space<vmem_shared>>
      tpu.enqueue_indirect_dma source(%arg12 : memref<400x64xf32, #tpu.memory_space<vmem>>) target(%dma_start3A_119 : memref<10112x64xf32, #tpu.memory_space<vmem_shared>>) offsets(%arg10 : memref<400xi32, #tpu.memory_space<vmem>>) semaphore(%arg19 : memref<!tpu.dma_semaphore, #tpu.memory_space<semaphore_mem>>) {add = true}
      %mul3A_120 = arith.constant 2 : i32
      %mul3A_121 = arith.muli %mul3A_120, %scan3A_59 : i32
      %add3A_122 = arith.constant 1 : i32
      %add3A_123 = arith.addi %mul3A_121, %add3A_122 : i32
      %jit3A_124 = arith.constant 2 : i32
      %eq3A_125 = arith.constant 0 : i32
      %eq3A_126 = arith.cmpi eq, %jit3A_124, %eq3A_125 : i32
      %jit3A_127 = arith.constant 1 : i32
      %select_n3A_128 = arith.select %eq3A_126, %jit3A_127, %jit3A_124 : i32
      %rem3A_129 = arith.remsi %add3A_123, %select_n3A_128 : i32
      %ne3A_130 = arith.constant 0 : i32
      %ne3A_131 = arith.cmpi ne, %rem3A_129, %ne3A_130 : i32
      %lt3A_132 = arith.constant 0 : i32
      %lt3A_133 = arith.cmpi slt, %rem3A_129, %lt3A_132 : i32
      %lt3A_134 = arith.constant 0 : i32
      %lt3A_135 = arith.cmpi slt, %select_n3A_128, %lt3A_134 : i32
      %ne3A_136 = arith.xori %lt3A_133, %lt3A_135 : i1
      %and3A_137 = arith.andi %ne3A_136, %ne3A_131 : i1
      %add3A_138 = arith.addi %rem3A_129, %select_n3A_128 : i32
      %select_n3A_139 = arith.select %and3A_137, %add3A_138, %rem3A_129 : i32
      %eq3A_140 = arith.cmpi eq, %arg0, %select_n3A_139 : i32
      %convert_element_type3A_141 = arith.extui %eq3A_140 : i1 to i32
      %cond3A_142 = arith.constant 0 : i32
      %cond3A_143 = arith.cmpi ne, %convert_element_type3A_141, %cond3A_142 : i32
      scf.if %cond3A_143 {
        %dma_start3A_145 = arith.constant 0 : i32
        %dma_start3A_146 = arith.constant 0 : i32
        %dma_start3A_147 = tpu.memref_slice %arg15[%dma_start3A_145, %dma_start3A_146] : memref<10112x16xf32, #tpu.memory_space<vmem_shared>> -> memref<10112x16xf32, #tpu.memory_space<vmem_shared>>
        tpu.enqueue_indirect_dma source(%arg13 : memref<400x16xf32, #tpu.memory_space<vmem>>) target(%dma_start3A_147 : memref<10112x16xf32, #tpu.memory_space<vmem_shared>>) offsets(%arg10 : memref<400xi32, #tpu.memory_space<vmem>>) semaphore(%arg20 : memref<!tpu.dma_semaphore, #tpu.memory_space<semaphore_mem>>) {add = true}
      } else {
      }
      %scan3A_144 = arith.constant 0 : i32
      scf.yield %scan3A_144 : i32
    }
    %scan3A_39 = arith.constant 25 : i32
    %dma_wait3A = arith.constant 0 : i32
    %dma_wait3A_40 = arith.constant 0 : i32
    %dma_wait3A_41 = tpu.memref_slice %arg2[%dma_wait3A, %dma_wait3A_40] : memref<20000x64xf32, #tpu.memory_space<hbm>> -> memref<400x64xf32, #tpu.memory_space<hbm>>
    %dma_wait3A_42 = arith.constant 0 : i32
    %dma_wait3A_43 = arith.constant 0 : i32
    %dma_wait3A_44 = tpu.memref_slice %arg2[%dma_wait3A_42, %dma_wait3A_43] : memref<20000x64xf32, #tpu.memory_space<hbm>> -> memref<400x64xf32, #tpu.memory_space<hbm>>
    tpu.wait_dma2 semaphore(%arg18 : memref<!tpu.dma_semaphore, #tpu.memory_space<semaphore_mem>>) src(%dma_wait3A_44 : memref<400x64xf32, #tpu.memory_space<hbm>>) dst(%arg11 : memref<400x64xf32, #tpu.memory_space<vmem>>)
    %dma_wait3A_45 = arith.constant 0 : i32
    %dma_wait3A_46 = arith.constant 0 : i32
    %dma_wait3A_47 = tpu.memref_slice %arg2[%dma_wait3A_45, %dma_wait3A_46] : memref<20000x64xf32, #tpu.memory_space<hbm>> -> memref<400x64xf32, #tpu.memory_space<hbm>>
    %dma_wait3A_48 = arith.constant 0 : i32
    %dma_wait3A_49 = arith.constant 0 : i32
    %dma_wait3A_50 = tpu.memref_slice %arg2[%dma_wait3A_48, %dma_wait3A_49] : memref<20000x64xf32, #tpu.memory_space<hbm>> -> memref<400x64xf32, #tpu.memory_space<hbm>>
    tpu.wait_dma2 semaphore(%arg19 : memref<!tpu.dma_semaphore, #tpu.memory_space<semaphore_mem>>) src(%dma_wait3A_50 : memref<400x64xf32, #tpu.memory_space<hbm>>) dst(%arg12 : memref<400x64xf32, #tpu.memory_space<vmem>>)
    %scan3A_51 = arith.constant 0 : i32
    %scan3A_52 = arith.constant 0 : i32
    %scan3A_53 = arith.constant 25 : i32
    %scan3A_54 = arith.addi %scan3A_52, %scan3A_53 : i32
    %scan3A_55 = arith.constant 1 : i32
    %scan3A_56 = scf.for %scan3A_59 = %scan3A_52 to %scan3A_54 step %scan3A_55 iter_args(%scan3A_60 = %scan3A_51) -> (i32)  : i32 {
      %dma_wait3A_61 = arith.constant 0 : i32
      %dma_wait3A_62 = arith.constant 0 : i32
      %dma_wait3A_63 = arith.constant 0 : i32
      %dma_wait3A_64 = tpu.memref_slice %arg6[%dma_wait3A_61, %dma_wait3A_62, %dma_wait3A_63] : memref<2x10112x16xf32, #tpu.memory_space<hbm>> -> memref<1x400x16xf32, #tpu.memory_space<hbm>>
      %dma_wait3A_65 = tpu.memref_squeeze %dma_wait3A_64 : memref<1x400x16xf32, #tpu.memory_space<hbm>> -> memref<400x16xf32, #tpu.memory_space<hbm>>
      %dma_wait3A_66 = arith.constant 0 : i32
      %dma_wait3A_67 = arith.constant 0 : i32
      %dma_wait3A_68 = tpu.memref_slice %arg6[%dma_wait3A_61, %dma_wait3A_66, %dma_wait3A_67] : memref<2x10112x16xf32, #tpu.memory_space<hbm>> -> memref<1x400x16xf32, #tpu.memory_space<hbm>>
      %dma_wait3A_69 = tpu.memref_squeeze %dma_wait3A_68 : memref<1x400x16xf32, #tpu.memory_space<hbm>> -> memref<400x16xf32, #tpu.memory_space<hbm>>
      tpu.wait_dma2 semaphore(%arg20 : memref<!tpu.dma_semaphore, #tpu.memory_space<semaphore_mem>>) src(%dma_wait3A_69 : memref<400x16xf32, #tpu.memory_space<hbm>>) dst(%arg13 : memref<400x16xf32, #tpu.memory_space<vmem>>)
      %scan3A_70 = arith.constant 0 : i32
      scf.yield %scan3A_70 : i32
    }
    %scan3A_57 = arith.constant 25 : i32
    %barrier3A_58 = arith.constant 0 : index
    tpu.barrier barrier_id(%barrier3A_58)
    "tpu.region"() ({
      %run_scoped3A = tpu.sem_alloc : memref<!tpu.dma_semaphore, #tpu.memory_space<semaphore_mem>>
      %dma_start3A = arith.constant 0 : i32
      %dma_start3A_59 = tpu.memref_slice %arg5[%arg0, %mul3A_6, %dma_start3A] : memref<2x10112x64xf32, #tpu.memory_space<hbm>> -> memref<1x632x64xf32, #tpu.memory_space<hbm>>
      %dma_start3A_60 = tpu.memref_squeeze %dma_start3A_59 : memref<1x632x64xf32, #tpu.memory_space<hbm>> -> memref<632x64xf32, #tpu.memory_space<hbm>>
      %dma_start3A_61 = arith.constant 0 : i32
      %dma_start3A_62 = tpu.memref_slice %arg14[%mul3A_6, %dma_start3A_61] : memref<10112x64xf32, #tpu.memory_space<vmem_shared>> -> memref<632x64xf32, #tpu.memory_space<vmem_shared>>
      tpu.enqueue_dma source(%dma_start3A_62 : memref<632x64xf32, #tpu.memory_space<vmem_shared>>) target(%dma_start3A_60 : memref<632x64xf32, #tpu.memory_space<hbm>>) target_semaphore(%run_scoped3A : memref<!tpu.dma_semaphore, #tpu.memory_space<semaphore_mem>>)
      %dma_wait3A_63 = arith.constant 0 : i32
      %dma_wait3A_64 = tpu.memref_slice %arg5[%arg0, %mul3A_6, %dma_wait3A_63] : memref<2x10112x64xf32, #tpu.memory_space<hbm>> -> memref<1x632x64xf32, #tpu.memory_space<hbm>>
      %dma_wait3A_65 = tpu.memref_squeeze %dma_wait3A_64 : memref<1x632x64xf32, #tpu.memory_space<hbm>> -> memref<632x64xf32, #tpu.memory_space<hbm>>
      %dma_wait3A_66 = arith.constant 0 : i32
      %dma_wait3A_67 = tpu.memref_slice %arg14[%mul3A_6, %dma_wait3A_66] : memref<10112x64xf32, #tpu.memory_space<vmem_shared>> -> memref<632x64xf32, #tpu.memory_space<vmem_shared>>
      tpu.wait_dma2 semaphore(%run_scoped3A : memref<!tpu.dma_semaphore, #tpu.memory_space<semaphore_mem>>) src(%dma_wait3A_67 : memref<632x64xf32, #tpu.memory_space<vmem_shared>>) dst(%dma_wait3A_65 : memref<632x64xf32, #tpu.memory_space<hbm>>)
      tpu.yield
    }) : () -> ()
    "tpu.region"() ({
      %run_scoped3A = tpu.sem_alloc : memref<!tpu.dma_semaphore, #tpu.memory_space<semaphore_mem>>
      %dma_start3A = arith.constant 0 : i32
      %dma_start3A_59 = tpu.memref_slice %arg6[%arg0, %mul3A_6, %dma_start3A] : memref<2x10112x16xf32, #tpu.memory_space<hbm>> -> memref<1x632x16xf32, #tpu.memory_space<hbm>>
      %dma_start3A_60 = tpu.memref_squeeze %dma_start3A_59 : memref<1x632x16xf32, #tpu.memory_space<hbm>> -> memref<632x16xf32, #tpu.memory_space<hbm>>
      %dma_start3A_61 = arith.constant 0 : i32
      %dma_start3A_62 = tpu.memref_slice %arg15[%mul3A_6, %dma_start3A_61] : memref<10112x16xf32, #tpu.memory_space<vmem_shared>> -> memref<632x16xf32, #tpu.memory_space<vmem_shared>>
      tpu.enqueue_dma source(%dma_start3A_62 : memref<632x16xf32, #tpu.memory_space<vmem_shared>>) target(%dma_start3A_60 : memref<632x16xf32, #tpu.memory_space<hbm>>) target_semaphore(%run_scoped3A : memref<!tpu.dma_semaphore, #tpu.memory_space<semaphore_mem>>)
      %dma_wait3A_63 = arith.constant 0 : i32
      %dma_wait3A_64 = tpu.memref_slice %arg6[%arg0, %mul3A_6, %dma_wait3A_63] : memref<2x10112x16xf32, #tpu.memory_space<hbm>> -> memref<1x632x16xf32, #tpu.memory_space<hbm>>
      %dma_wait3A_65 = tpu.memref_squeeze %dma_wait3A_64 : memref<1x632x16xf32, #tpu.memory_space<hbm>> -> memref<632x16xf32, #tpu.memory_space<hbm>>
      %dma_wait3A_66 = arith.constant 0 : i32
      %dma_wait3A_67 = tpu.memref_slice %arg15[%mul3A_6, %dma_wait3A_66] : memref<10112x16xf32, #tpu.memory_space<vmem_shared>> -> memref<632x16xf32, #tpu.memory_space<vmem_shared>>
      tpu.wait_dma2 semaphore(%run_scoped3A : memref<!tpu.dma_semaphore, #tpu.memory_space<semaphore_mem>>) src(%dma_wait3A_67 : memref<632x16xf32, #tpu.memory_space<vmem_shared>>) dst(%dma_wait3A_65 : memref<632x16xf32, #tpu.memory_space<hbm>>)
      tpu.yield
    }) : () -> ()
    return
  }
}

#map = affine_map<(d0, d1) -> (0, 0)>
#map1 = affine_map<(d0, d1) -> (0)>
#map2 = affine_map<(d0, d1) -> (0, 0, 0)>
module attributes {stable_mosaic.version = 14 : i64} {
  func.func @_sc_agg_body(%arg0: i32, %arg1: i32, %arg2: memref<20000x64xf32, #tpu.memory_space<hbm>>, %arg3: memref<640000xi32, #tpu.memory_space<hbm>>, %arg4: memref<320000xi32, #tpu.memory_space<hbm>>, %arg5: memref<2x10112x64xf32, #tpu.memory_space<hbm>>, %arg6: memref<400xi32, #tpu.memory_space<vmem>>, %arg7: memref<400xi32, #tpu.memory_space<vmem>>, %arg8: memref<400xi32, #tpu.memory_space<vmem>>, %arg9: memref<400xi32, #tpu.memory_space<vmem>>, %arg10: memref<400x64xf32, #tpu.memory_space<vmem>>, %arg11: memref<400x64xf32, #tpu.memory_space<vmem>>, %arg12: memref<10112x64xf32, #tpu.memory_space<vmem_shared>>, %arg13: memref<!tpu.dma_semaphore, #tpu.memory_space<semaphore_mem>>, %arg14: memref<!tpu.dma_semaphore, #tpu.memory_space<semaphore_mem>>, %arg15: memref<!tpu.dma_semaphore, #tpu.memory_space<semaphore_mem>>, %arg16: memref<!tpu.dma_semaphore, #tpu.memory_space<semaphore_mem>>) attributes {dimension_semantics = [#tpu.dimension_semantics<core_parallel>, #tpu.dimension_semantics<subcore_parallel>], iteration_bounds = array<i64: 2, 16>, scalar_prefetch = 0 : i64, scratch_operands = 11 : i64, tpu.core_type = #tpu.core_type<sc_vector_subcore>, window_params = [{transform_indices = #map}, {transform_indices = #map1}, {transform_indices = #map1}, {transform_indices = #map2}]} {
    %scan3A = arith.constant 0 : i32
    %scan3A_0 = arith.constant 0 : i32
    %scan3A_1 = arith.constant 400 : i32
    %scan3A_2 = arith.addi %scan3A_0, %scan3A_1 : i32
    %scan3A_3 = arith.constant 1 : i32
    %scan3A_4 = scf.for %scan3A_34 = %scan3A_0 to %scan3A_2 step %scan3A_3 iter_args(%scan3A_35 = %scan3A) -> (i32)  : i32 {
      %broadcast_in_dim3A = arith.constant 0.000000e+00 : f32
      %broadcast_in_dim3A_36 = vector.broadcast %broadcast_in_dim3A : f32 to vector<16xf32>
      %swap3A = arith.index_cast %scan3A_34 : i32 to index
      %swap3A_37 = arith.constant 0 : index
      %swap3A_38 = tpu.vector_load %arg10[%swap3A, %swap3A_37] {strides = array<i32>} : memref<400x64xf32, #tpu.memory_space<vmem>>, vector<1x16xf32>,
      %swap3A_39 = vector.shape_cast %swap3A_38 : vector<1x16xf32> to vector<16xf32>
      %swap3A_40 = vector.shape_cast %broadcast_in_dim3A_36 : vector<16xf32> to vector<1x16xf32>
      tpu.vector_store %arg10[%swap3A, %swap3A_37], %swap3A_40 {strides = array<i32>} : memref<400x64xf32, #tpu.memory_space<vmem>>, vector<1x16xf32>,
      %broadcast_in_dim3A_41 = arith.constant 0.000000e+00 : f32
      %broadcast_in_dim3A_42 = vector.broadcast %broadcast_in_dim3A_41 : f32 to vector<16xf32>
      %swap3A_43 = arith.index_cast %scan3A_34 : i32 to index
      %swap3A_44 = arith.constant 16 : index
      %swap3A_45 = tpu.vector_load %arg10[%swap3A_43, %swap3A_44] {strides = array<i32>} : memref<400x64xf32, #tpu.memory_space<vmem>>, vector<1x16xf32>,
      %swap3A_46 = vector.shape_cast %swap3A_45 : vector<1x16xf32> to vector<16xf32>
      %swap3A_47 = vector.shape_cast %broadcast_in_dim3A_42 : vector<16xf32> to vector<1x16xf32>
      tpu.vector_store %arg10[%swap3A_43, %swap3A_44], %swap3A_47 {strides = array<i32>} : memref<400x64xf32, #tpu.memory_space<vmem>>, vector<1x16xf32>,
      %broadcast_in_dim3A_48 = arith.constant 0.000000e+00 : f32
      %broadcast_in_dim3A_49 = vector.broadcast %broadcast_in_dim3A_48 : f32 to vector<16xf32>
      %swap3A_50 = arith.index_cast %scan3A_34 : i32 to index
      %swap3A_51 = arith.constant 32 : index
      %swap3A_52 = tpu.vector_load %arg10[%swap3A_50, %swap3A_51] {strides = array<i32>} : memref<400x64xf32, #tpu.memory_space<vmem>>, vector<1x16xf32>,
      %swap3A_53 = vector.shape_cast %swap3A_52 : vector<1x16xf32> to vector<16xf32>
      %swap3A_54 = vector.shape_cast %broadcast_in_dim3A_49 : vector<16xf32> to vector<1x16xf32>
      tpu.vector_store %arg10[%swap3A_50, %swap3A_51], %swap3A_54 {strides = array<i32>} : memref<400x64xf32, #tpu.memory_space<vmem>>, vector<1x16xf32>,
      %broadcast_in_dim3A_55 = arith.constant 0.000000e+00 : f32
      %broadcast_in_dim3A_56 = vector.broadcast %broadcast_in_dim3A_55 : f32 to vector<16xf32>
      %swap3A_57 = arith.index_cast %scan3A_34 : i32 to index
      %swap3A_58 = arith.constant 48 : index
      %swap3A_59 = tpu.vector_load %arg10[%swap3A_57, %swap3A_58] {strides = array<i32>} : memref<400x64xf32, #tpu.memory_space<vmem>>, vector<1x16xf32>,
      %swap3A_60 = vector.shape_cast %swap3A_59 : vector<1x16xf32> to vector<16xf32>
      %swap3A_61 = vector.shape_cast %broadcast_in_dim3A_56 : vector<16xf32> to vector<1x16xf32>
      tpu.vector_store %arg10[%swap3A_57, %swap3A_58], %swap3A_61 {strides = array<i32>} : memref<400x64xf32, #tpu.memory_space<vmem>>, vector<1x16xf32>,
      %scan3A_62 = arith.constant 0 : i32
      scf.yield %scan3A_62 : i32
    }
    %scan3A_5 = arith.constant 400 : i32
    %mul3A = arith.constant 632 : i32
    %mul3A_6 = arith.muli %arg1, %mul3A : i32
    %add3A = arith.constant 0 : i32
    %add3A_7 = arith.addi %mul3A_6, %add3A : i32
    "tpu.region"() ({
      %run_scoped3A = tpu.sem_alloc : memref<!tpu.dma_semaphore, #tpu.memory_space<semaphore_mem>>
      %dma_start3A = arith.constant 0 : i32
      %dma_start3A_34 = arith.constant 0 : i32
      %dma_start3A_35 = tpu.memref_slice %arg10[%dma_start3A, %dma_start3A_34] : memref<400x64xf32, #tpu.memory_space<vmem>> -> memref<400x64xf32, #tpu.memory_space<vmem>>
      %dma_start3A_36 = arith.constant 0 : i32
      %dma_start3A_37 = tpu.memref_slice %arg12[%add3A_7, %dma_start3A_36] : memref<10112x64xf32, #tpu.memory_space<vmem_shared>> -> memref<400x64xf32, #tpu.memory_space<vmem_shared>>
      %dma_start3A_38 = arith.constant 0 : i32
      %dma_start3A_39 = tpu.memref_slice %arg12[%add3A_7, %dma_start3A_38] : memref<10112x64xf32, #tpu.memory_space<vmem_shared>> -> memref<400x64xf32, #tpu.memory_space<vmem_shared>>
      %dma_start3A_40 = arith.constant 0 : i32
      %dma_start3A_41 = arith.constant 0 : i32
      %dma_start3A_42 = tpu.memref_slice %arg10[%dma_start3A_40, %dma_start3A_41] : memref<400x64xf32, #tpu.memory_space<vmem>> -> memref<400x64xf32, #tpu.memory_space<vmem>>
      tpu.enqueue_dma source(%dma_start3A_42 : memref<400x64xf32, #tpu.memory_space<vmem>>) target(%dma_start3A_39 : memref<400x64xf32, #tpu.memory_space<vmem_shared>>) target_semaphore(%run_scoped3A : memref<!tpu.dma_semaphore, #tpu.memory_space<semaphore_mem>>)
      %dma_wait3A_43 = arith.constant 0 : i32
      %dma_wait3A_44 = arith.constant 0 : i32
      %dma_wait3A_45 = tpu.memref_slice %arg10[%dma_wait3A_43, %dma_wait3A_44] : memref<400x64xf32, #tpu.memory_space<vmem>> -> memref<400x64xf32, #tpu.memory_space<vmem>>
      %dma_wait3A_46 = arith.constant 0 : i32
      %dma_wait3A_47 = tpu.memref_slice %arg12[%add3A_7, %dma_wait3A_46] : memref<10112x64xf32, #tpu.memory_space<vmem_shared>> -> memref<400x64xf32, #tpu.memory_space<vmem_shared>>
      %dma_wait3A_48 = arith.constant 0 : i32
      %dma_wait3A_49 = tpu.memref_slice %arg12[%add3A_7, %dma_wait3A_48] : memref<10112x64xf32, #tpu.memory_space<vmem_shared>> -> memref<400x64xf32, #tpu.memory_space<vmem_shared>>
      %dma_wait3A_50 = arith.constant 0 : i32
      %dma_wait3A_51 = arith.constant 0 : i32
      %dma_wait3A_52 = tpu.memref_slice %arg10[%dma_wait3A_50, %dma_wait3A_51] : memref<400x64xf32, #tpu.memory_space<vmem>> -> memref<400x64xf32, #tpu.memory_space<vmem>>
      tpu.wait_dma2 semaphore(%run_scoped3A : memref<!tpu.dma_semaphore, #tpu.memory_space<semaphore_mem>>) src(%dma_wait3A_52 : memref<400x64xf32, #tpu.memory_space<vmem>>) dst(%dma_wait3A_49 : memref<400x64xf32, #tpu.memory_space<vmem_shared>>)
      tpu.yield
    }) : () -> ()
    %add3A_8 = arith.constant 400 : i32
    %add3A_9 = arith.addi %mul3A_6, %add3A_8 : i32
    "tpu.region"() ({
      %run_scoped3A = tpu.sem_alloc : memref<!tpu.dma_semaphore, #tpu.memory_space<semaphore_mem>>
      %dma_start3A = arith.constant 0 : i32
      %dma_start3A_34 = arith.constant 0 : i32
      %dma_start3A_35 = tpu.memref_slice %arg10[%dma_start3A, %dma_start3A_34] : memref<400x64xf32, #tpu.memory_space<vmem>> -> memref<232x64xf32, #tpu.memory_space<vmem>>
      %dma_start3A_36 = arith.constant 0 : i32
      %dma_start3A_37 = tpu.memref_slice %arg12[%add3A_9, %dma_start3A_36] : memref<10112x64xf32, #tpu.memory_space<vmem_shared>> -> memref<232x64xf32, #tpu.memory_space<vmem_shared>>
      %dma_start3A_38 = arith.constant 0 : i32
      %dma_start3A_39 = tpu.memref_slice %arg12[%add3A_9, %dma_start3A_38] : memref<10112x64xf32, #tpu.memory_space<vmem_shared>> -> memref<232x64xf32, #tpu.memory_space<vmem_shared>>
      %dma_start3A_40 = arith.constant 0 : i32
      %dma_start3A_41 = arith.constant 0 : i32
      %dma_start3A_42 = tpu.memref_slice %arg10[%dma_start3A_40, %dma_start3A_41] : memref<400x64xf32, #tpu.memory_space<vmem>> -> memref<232x64xf32, #tpu.memory_space<vmem>>
      tpu.enqueue_dma source(%dma_start3A_42 : memref<232x64xf32, #tpu.memory_space<vmem>>) target(%dma_start3A_39 : memref<232x64xf32, #tpu.memory_space<vmem_shared>>) target_semaphore(%run_scoped3A : memref<!tpu.dma_semaphore, #tpu.memory_space<semaphore_mem>>)
      %dma_wait3A_43 = arith.constant 0 : i32
      %dma_wait3A_44 = arith.constant 0 : i32
      %dma_wait3A_45 = tpu.memref_slice %arg10[%dma_wait3A_43, %dma_wait3A_44] : memref<400x64xf32, #tpu.memory_space<vmem>> -> memref<232x64xf32, #tpu.memory_space<vmem>>
      %dma_wait3A_46 = arith.constant 0 : i32
      %dma_wait3A_47 = tpu.memref_slice %arg12[%add3A_9, %dma_wait3A_46] : memref<10112x64xf32, #tpu.memory_space<vmem_shared>> -> memref<232x64xf32, #tpu.memory_space<vmem_shared>>
      %dma_wait3A_48 = arith.constant 0 : i32
      %dma_wait3A_49 = tpu.memref_slice %arg12[%add3A_9, %dma_wait3A_48] : memref<10112x64xf32, #tpu.memory_space<vmem_shared>> -> memref<232x64xf32, #tpu.memory_space<vmem_shared>>
      %dma_wait3A_50 = arith.constant 0 : i32
      %dma_wait3A_51 = arith.constant 0 : i32
      %dma_wait3A_52 = tpu.memref_slice %arg10[%dma_wait3A_50, %dma_wait3A_51] : memref<400x64xf32, #tpu.memory_space<vmem>> -> memref<232x64xf32, #tpu.memory_space<vmem>>
      tpu.wait_dma2 semaphore(%run_scoped3A : memref<!tpu.dma_semaphore, #tpu.memory_space<semaphore_mem>>) src(%dma_wait3A_52 : memref<232x64xf32, #tpu.memory_space<vmem>>) dst(%dma_wait3A_49 : memref<232x64xf32, #tpu.memory_space<vmem_shared>>)
      tpu.yield
    }) : () -> ()
    %barrier3A = arith.constant 0 : index
    tpu.barrier barrier_id(%barrier3A)
    %mul3A_10 = arith.constant 20000 : i32
    %mul3A_11 = arith.muli %arg1, %mul3A_10 : i32
    %mul3A_12 = arith.constant 320000 : i32
    %mul3A_13 = arith.muli %arg0, %mul3A_12 : i32
    %add3A_14 = arith.addi %mul3A_13, %mul3A_11 : i32
    %scan3A_15 = arith.constant 0 : i32
    %scan3A_16 = arith.constant 0 : i32
    %scan3A_17 = arith.constant 25 : i32
    %scan3A_18 = arith.addi %scan3A_16, %scan3A_17 : i32
    %scan3A_19 = arith.constant 1 : i32
    %scan3A_20 = scf.for %scan3A_34 = %scan3A_16 to %scan3A_18 step %scan3A_19 iter_args(%scan3A_35 = %scan3A_15) -> (i32)  : i32 {
      %mul3A_36 = arith.constant 2 : i32
      %mul3A_37 = arith.muli %mul3A_36, %scan3A_34 : i32
      %mul3A_38 = arith.constant 400 : i32
      %mul3A_39 = arith.muli %mul3A_37, %mul3A_38 : i32
      %add3A_40 = arith.constant 0 : i32
      %add3A_41 = arith.addi %mul3A_39, %add3A_40 : i32
      %gt3A = arith.constant 0 : i32
      %gt3A_42 = arith.cmpi sgt, %scan3A_34, %gt3A : i32
      %convert_element_type3A = arith.extui %gt3A_42 : i1 to i32
      %cond3A = arith.constant 0 : i32
      %cond3A_43 = arith.cmpi ne, %convert_element_type3A, %cond3A : i32
      scf.if %cond3A_43 {
        %dma_wait3A_79 = arith.constant 0 : i32
        %dma_wait3A_80 = arith.constant 0 : i32
        %dma_wait3A_81 = tpu.memref_slice %arg2[%dma_wait3A_79, %dma_wait3A_80] : memref<20000x64xf32, #tpu.memory_space<hbm>> -> memref<400x64xf32, #tpu.memory_space<hbm>>
        %dma_wait3A_82 = arith.constant 0 : i32
        %dma_wait3A_83 = arith.constant 0 : i32
        %dma_wait3A_84 = tpu.memref_slice %arg2[%dma_wait3A_82, %dma_wait3A_83] : memref<20000x64xf32, #tpu.memory_space<hbm>> -> memref<400x64xf32, #tpu.memory_space<hbm>>
        tpu.wait_dma2 semaphore(%arg15 : memref<!tpu.dma_semaphore, #tpu.memory_space<semaphore_mem>>) src(%dma_wait3A_84 : memref<400x64xf32, #tpu.memory_space<hbm>>) dst(%arg10 : memref<400x64xf32, #tpu.memory_space<vmem>>)
      } else {
      }
      %add3A_44 = arith.addi %add3A_14, %add3A_41 : i32
      "tpu.region"() ({
        %run_scoped3A = tpu.sem_alloc : memref<!tpu.dma_semaphore, #tpu.memory_space<semaphore_mem>>
        %dma_start3A_79 = tpu.memref_slice %arg3[%add3A_44] : memref<640000xi32, #tpu.memory_space<hbm>> -> memref<400xi32, #tpu.memory_space<hbm>>
        %dma_start3A_80 = tpu.memref_slice %arg3[%add3A_44] : memref<640000xi32, #tpu.memory_space<hbm>> -> memref<400xi32, #tpu.memory_space<hbm>>
        tpu.enqueue_dma source(%dma_start3A_80 : memref<400xi32, #tpu.memory_space<hbm>>) target(%arg6 : memref<400xi32, #tpu.memory_space<vmem>>) target_semaphore(%run_scoped3A : memref<!tpu.dma_semaphore, #tpu.memory_space<semaphore_mem>>)
        %dma_wait3A_81 = tpu.memref_slice %arg3[%add3A_44] : memref<640000xi32, #tpu.memory_space<hbm>> -> memref<400xi32, #tpu.memory_space<hbm>>
        %dma_wait3A_82 = tpu.memref_slice %arg3[%add3A_44] : memref<640000xi32, #tpu.memory_space<hbm>> -> memref<400xi32, #tpu.memory_space<hbm>>
        tpu.wait_dma2 semaphore(%run_scoped3A : memref<!tpu.dma_semaphore, #tpu.memory_space<semaphore_mem>>) src(%dma_wait3A_82 : memref<400xi32, #tpu.memory_space<hbm>>) dst(%arg6 : memref<400xi32, #tpu.memory_space<vmem>>)
        tpu.yield
      }) : () -> ()
      %add3A_45 = arith.addi %mul3A_11, %add3A_41 : i32
      "tpu.region"() ({
        %run_scoped3A = tpu.sem_alloc : memref<!tpu.dma_semaphore, #tpu.memory_space<semaphore_mem>>
        %dma_start3A_79 = tpu.memref_slice %arg4[%add3A_45] : memref<320000xi32, #tpu.memory_space<hbm>> -> memref<400xi32, #tpu.memory_space<hbm>>
        %dma_start3A_80 = tpu.memref_slice %arg4[%add3A_45] : memref<320000xi32, #tpu.memory_space<hbm>> -> memref<400xi32, #tpu.memory_space<hbm>>
        tpu.enqueue_dma source(%dma_start3A_80 : memref<400xi32, #tpu.memory_space<hbm>>) target(%arg8 : memref<400xi32, #tpu.memory_space<vmem>>) target_semaphore(%run_scoped3A : memref<!tpu.dma_semaphore, #tpu.memory_space<semaphore_mem>>)
        %dma_wait3A_81 = tpu.memref_slice %arg4[%add3A_45] : memref<320000xi32, #tpu.memory_space<hbm>> -> memref<400xi32, #tpu.memory_space<hbm>>
        %dma_wait3A_82 = tpu.memref_slice %arg4[%add3A_45] : memref<320000xi32, #tpu.memory_space<hbm>> -> memref<400xi32, #tpu.memory_space<hbm>>
        tpu.wait_dma2 semaphore(%run_scoped3A : memref<!tpu.dma_semaphore, #tpu.memory_space<semaphore_mem>>) src(%dma_wait3A_82 : memref<400xi32, #tpu.memory_space<hbm>>) dst(%arg8 : memref<400xi32, #tpu.memory_space<vmem>>)
        tpu.yield
      }) : () -> ()
      %dma_start3A = arith.constant 0 : i32
      %dma_start3A_46 = arith.constant 0 : i32
      %dma_start3A_47 = tpu.memref_slice %arg2[%dma_start3A, %dma_start3A_46] : memref<20000x64xf32, #tpu.memory_space<hbm>> -> memref<20000x64xf32, #tpu.memory_space<hbm>>
      tpu.enqueue_indirect_dma source(%dma_start3A_47 : memref<20000x64xf32, #tpu.memory_space<hbm>>) target(%arg10 : memref<400x64xf32, #tpu.memory_space<vmem>>) offsets(%arg6 : memref<400xi32, #tpu.memory_space<vmem>>) semaphore(%arg13 : memref<!tpu.dma_semaphore, #tpu.memory_space<semaphore_mem>>)
      %add3A_48 = arith.constant 400 : i32
      %add3A_49 = arith.addi %mul3A_39, %add3A_48 : i32
      %gt3A_50 = arith.constant 0 : i32
      %gt3A_51 = arith.cmpi sgt, %scan3A_34, %gt3A_50 : i32
      %convert_element_type3A_52 = arith.extui %gt3A_51 : i1 to i32
      %cond3A_53 = arith.constant 0 : i32
      %cond3A_54 = arith.cmpi ne, %convert_element_type3A_52, %cond3A_53 : i32
      scf.if %cond3A_54 {
        %dma_wait3A_79 = arith.constant 0 : i32
        %dma_wait3A_80 = arith.constant 0 : i32
        %dma_wait3A_81 = tpu.memref_slice %arg2[%dma_wait3A_79, %dma_wait3A_80] : memref<20000x64xf32, #tpu.memory_space<hbm>> -> memref<400x64xf32, #tpu.memory_space<hbm>>
        %dma_wait3A_82 = arith.constant 0 : i32
        %dma_wait3A_83 = arith.constant 0 : i32
        %dma_wait3A_84 = tpu.memref_slice %arg2[%dma_wait3A_82, %dma_wait3A_83] : memref<20000x64xf32, #tpu.memory_space<hbm>> -> memref<400x64xf32, #tpu.memory_space<hbm>>
        tpu.wait_dma2 semaphore(%arg16 : memref<!tpu.dma_semaphore, #tpu.memory_space<semaphore_mem>>) src(%dma_wait3A_84 : memref<400x64xf32, #tpu.memory_space<hbm>>) dst(%arg11 : memref<400x64xf32, #tpu.memory_space<vmem>>)
      } else {
      }
      %add3A_55 = arith.addi %add3A_14, %add3A_49 : i32
      "tpu.region"() ({
        %run_scoped3A = tpu.sem_alloc : memref<!tpu.dma_semaphore, #tpu.memory_space<semaphore_mem>>
        %dma_start3A_79 = tpu.memref_slice %arg3[%add3A_55] : memref<640000xi32, #tpu.memory_space<hbm>> -> memref<400xi32, #tpu.memory_space<hbm>>
        %dma_start3A_80 = tpu.memref_slice %arg3[%add3A_55] : memref<640000xi32, #tpu.memory_space<hbm>> -> memref<400xi32, #tpu.memory_space<hbm>>
        tpu.enqueue_dma source(%dma_start3A_80 : memref<400xi32, #tpu.memory_space<hbm>>) target(%arg7 : memref<400xi32, #tpu.memory_space<vmem>>) target_semaphore(%run_scoped3A : memref<!tpu.dma_semaphore, #tpu.memory_space<semaphore_mem>>)
        %dma_wait3A_81 = tpu.memref_slice %arg3[%add3A_55] : memref<640000xi32, #tpu.memory_space<hbm>> -> memref<400xi32, #tpu.memory_space<hbm>>
        %dma_wait3A_82 = tpu.memref_slice %arg3[%add3A_55] : memref<640000xi32, #tpu.memory_space<hbm>> -> memref<400xi32, #tpu.memory_space<hbm>>
        tpu.wait_dma2 semaphore(%run_scoped3A : memref<!tpu.dma_semaphore, #tpu.memory_space<semaphore_mem>>) src(%dma_wait3A_82 : memref<400xi32, #tpu.memory_space<hbm>>) dst(%arg7 : memref<400xi32, #tpu.memory_space<vmem>>)
        tpu.yield
      }) : () -> ()
      %add3A_56 = arith.addi %mul3A_11, %add3A_49 : i32
      "tpu.region"() ({
        %run_scoped3A = tpu.sem_alloc : memref<!tpu.dma_semaphore, #tpu.memory_space<semaphore_mem>>
        %dma_start3A_79 = tpu.memref_slice %arg4[%add3A_56] : memref<320000xi32, #tpu.memory_space<hbm>> -> memref<400xi32, #tpu.memory_space<hbm>>
        %dma_start3A_80 = tpu.memref_slice %arg4[%add3A_56] : memref<320000xi32, #tpu.memory_space<hbm>> -> memref<400xi32, #tpu.memory_space<hbm>>
        tpu.enqueue_dma source(%dma_start3A_80 : memref<400xi32, #tpu.memory_space<hbm>>) target(%arg9 : memref<400xi32, #tpu.memory_space<vmem>>) target_semaphore(%run_scoped3A : memref<!tpu.dma_semaphore, #tpu.memory_space<semaphore_mem>>)
        %dma_wait3A_81 = tpu.memref_slice %arg4[%add3A_56] : memref<320000xi32, #tpu.memory_space<hbm>> -> memref<400xi32, #tpu.memory_space<hbm>>
        %dma_wait3A_82 = tpu.memref_slice %arg4[%add3A_56] : memref<320000xi32, #tpu.memory_space<hbm>> -> memref<400xi32, #tpu.memory_space<hbm>>
        tpu.wait_dma2 semaphore(%run_scoped3A : memref<!tpu.dma_semaphore, #tpu.memory_space<semaphore_mem>>) src(%dma_wait3A_82 : memref<400xi32, #tpu.memory_space<hbm>>) dst(%arg9 : memref<400xi32, #tpu.memory_space<vmem>>)
        tpu.yield
      }) : () -> ()
      %dma_start3A_57 = arith.constant 0 : i32
      %dma_start3A_58 = arith.constant 0 : i32
      %dma_start3A_59 = tpu.memref_slice %arg2[%dma_start3A_57, %dma_start3A_58] : memref<20000x64xf32, #tpu.memory_space<hbm>> -> memref<20000x64xf32, #tpu.memory_space<hbm>>
      tpu.enqueue_indirect_dma source(%dma_start3A_59 : memref<20000x64xf32, #tpu.memory_space<hbm>>) target(%arg11 : memref<400x64xf32, #tpu.memory_space<vmem>>) offsets(%arg7 : memref<400xi32, #tpu.memory_space<vmem>>) semaphore(%arg14 : memref<!tpu.dma_semaphore, #tpu.memory_space<semaphore_mem>>)
      %dma_wait3A_60 = arith.constant 0 : i32
      %dma_wait3A_61 = arith.constant 0 : i32
      %dma_wait3A_62 = tpu.memref_slice %arg2[%dma_wait3A_60, %dma_wait3A_61] : memref<20000x64xf32, #tpu.memory_space<hbm>> -> memref<400x64xf32, #tpu.memory_space<hbm>>
      %dma_wait3A_63 = arith.constant 0 : i32
      %dma_wait3A_64 = arith.constant 0 : i32
      %dma_wait3A_65 = tpu.memref_slice %arg2[%dma_wait3A_63, %dma_wait3A_64] : memref<20000x64xf32, #tpu.memory_space<hbm>> -> memref<400x64xf32, #tpu.memory_space<hbm>>
      tpu.wait_dma2 semaphore(%arg13 : memref<!tpu.dma_semaphore, #tpu.memory_space<semaphore_mem>>) src(%dma_wait3A_65 : memref<400x64xf32, #tpu.memory_space<hbm>>) dst(%arg10 : memref<400x64xf32, #tpu.memory_space<vmem>>)
      %dma_start3A_66 = arith.constant 0 : i32
      %dma_start3A_67 = arith.constant 0 : i32
      %dma_start3A_68 = tpu.memref_slice %arg12[%dma_start3A_66, %dma_start3A_67] : memref<10112x64xf32, #tpu.memory_space<vmem_shared>> -> memref<10112x64xf32, #tpu.memory_space<vmem_shared>>
      tpu.enqueue_indirect_dma source(%arg10 : memref<400x64xf32, #tpu.memory_space<vmem>>) target(%dma_start3A_68 : memref<10112x64xf32, #tpu.memory_space<vmem_shared>>) offsets(%arg8 : memref<400xi32, #tpu.memory_space<vmem>>) semaphore(%arg15 : memref<!tpu.dma_semaphore, #tpu.memory_space<semaphore_mem>>) {add = true}
      %dma_wait3A_69 = arith.constant 0 : i32
      %dma_wait3A_70 = arith.constant 0 : i32
      %dma_wait3A_71 = tpu.memref_slice %arg2[%dma_wait3A_69, %dma_wait3A_70] : memref<20000x64xf32, #tpu.memory_space<hbm>> -> memref<400x64xf32, #tpu.memory_space<hbm>>
      %dma_wait3A_72 = arith.constant 0 : i32
      %dma_wait3A_73 = arith.constant 0 : i32
      %dma_wait3A_74 = tpu.memref_slice %arg2[%dma_wait3A_72, %dma_wait3A_73] : memref<20000x64xf32, #tpu.memory_space<hbm>> -> memref<400x64xf32, #tpu.memory_space<hbm>>
      tpu.wait_dma2 semaphore(%arg14 : memref<!tpu.dma_semaphore, #tpu.memory_space<semaphore_mem>>) src(%dma_wait3A_74 : memref<400x64xf32, #tpu.memory_space<hbm>>) dst(%arg11 : memref<400x64xf32, #tpu.memory_space<vmem>>)
      %dma_start3A_75 = arith.constant 0 : i32
      %dma_start3A_76 = arith.constant 0 : i32
      %dma_start3A_77 = tpu.memref_slice %arg12[%dma_start3A_75, %dma_start3A_76] : memref<10112x64xf32, #tpu.memory_space<vmem_shared>> -> memref<10112x64xf32, #tpu.memory_space<vmem_shared>>
      tpu.enqueue_indirect_dma source(%arg11 : memref<400x64xf32, #tpu.memory_space<vmem>>) target(%dma_start3A_77 : memref<10112x64xf32, #tpu.memory_space<vmem_shared>>) offsets(%arg9 : memref<400xi32, #tpu.memory_space<vmem>>) semaphore(%arg16 : memref<!tpu.dma_semaphore, #tpu.memory_space<semaphore_mem>>) {add = true}
      %scan3A_78 = arith.constant 0 : i32
      scf.yield %scan3A_78 : i32
    }
    %scan3A_21 = arith.constant 25 : i32
    %dma_wait3A = arith.constant 0 : i32
    %dma_wait3A_22 = arith.constant 0 : i32
    %dma_wait3A_23 = tpu.memref_slice %arg2[%dma_wait3A, %dma_wait3A_22] : memref<20000x64xf32, #tpu.memory_space<hbm>> -> memref<400x64xf32, #tpu.memory_space<hbm>>
    %dma_wait3A_24 = arith.constant 0 : i32
    %dma_wait3A_25 = arith.constant 0 : i32
    %dma_wait3A_26 = tpu.memref_slice %arg2[%dma_wait3A_24, %dma_wait3A_25] : memref<20000x64xf32, #tpu.memory_space<hbm>> -> memref<400x64xf32, #tpu.memory_space<hbm>>
    tpu.wait_dma2 semaphore(%arg15 : memref<!tpu.dma_semaphore, #tpu.memory_space<semaphore_mem>>) src(%dma_wait3A_26 : memref<400x64xf32, #tpu.memory_space<hbm>>) dst(%arg10 : memref<400x64xf32, #tpu.memory_space<vmem>>)
    %dma_wait3A_27 = arith.constant 0 : i32
    %dma_wait3A_28 = arith.constant 0 : i32
    %dma_wait3A_29 = tpu.memref_slice %arg2[%dma_wait3A_27, %dma_wait3A_28] : memref<20000x64xf32, #tpu.memory_space<hbm>> -> memref<400x64xf32, #tpu.memory_space<hbm>>
    %dma_wait3A_30 = arith.constant 0 : i32
    %dma_wait3A_31 = arith.constant 0 : i32
    %dma_wait3A_32 = tpu.memref_slice %arg2[%dma_wait3A_30, %dma_wait3A_31] : memref<20000x64xf32, #tpu.memory_space<hbm>> -> memref<400x64xf32, #tpu.memory_space<hbm>>
    tpu.wait_dma2 semaphore(%arg16 : memref<!tpu.dma_semaphore, #tpu.memory_space<semaphore_mem>>) src(%dma_wait3A_32 : memref<400x64xf32, #tpu.memory_space<hbm>>) dst(%arg11 : memref<400x64xf32, #tpu.memory_space<vmem>>)
    %barrier3A_33 = arith.constant 0 : index
    tpu.barrier barrier_id(%barrier3A_33)
    "tpu.region"() ({
      %run_scoped3A = tpu.sem_alloc : memref<!tpu.dma_semaphore, #tpu.memory_space<semaphore_mem>>
      %dma_start3A = arith.constant 0 : i32
      %dma_start3A_34 = tpu.memref_slice %arg5[%arg0, %mul3A_6, %dma_start3A] : memref<2x10112x64xf32, #tpu.memory_space<hbm>> -> memref<1x632x64xf32, #tpu.memory_space<hbm>>
      %dma_start3A_35 = tpu.memref_squeeze %dma_start3A_34 : memref<1x632x64xf32, #tpu.memory_space<hbm>> -> memref<632x64xf32, #tpu.memory_space<hbm>>
      %dma_start3A_36 = arith.constant 0 : i32
      %dma_start3A_37 = tpu.memref_slice %arg12[%mul3A_6, %dma_start3A_36] : memref<10112x64xf32, #tpu.memory_space<vmem_shared>> -> memref<632x64xf32, #tpu.memory_space<vmem_shared>>
      tpu.enqueue_dma source(%dma_start3A_37 : memref<632x64xf32, #tpu.memory_space<vmem_shared>>) target(%dma_start3A_35 : memref<632x64xf32, #tpu.memory_space<hbm>>) target_semaphore(%run_scoped3A : memref<!tpu.dma_semaphore, #tpu.memory_space<semaphore_mem>>)
      %dma_wait3A_38 = arith.constant 0 : i32
      %dma_wait3A_39 = tpu.memref_slice %arg5[%arg0, %mul3A_6, %dma_wait3A_38] : memref<2x10112x64xf32, #tpu.memory_space<hbm>> -> memref<1x632x64xf32, #tpu.memory_space<hbm>>
      %dma_wait3A_40 = tpu.memref_squeeze %dma_wait3A_39 : memref<1x632x64xf32, #tpu.memory_space<hbm>> -> memref<632x64xf32, #tpu.memory_space<hbm>>
      %dma_wait3A_41 = arith.constant 0 : i32
      %dma_wait3A_42 = tpu.memref_slice %arg12[%mul3A_6, %dma_wait3A_41] : memref<10112x64xf32, #tpu.memory_space<vmem_shared>> -> memref<632x64xf32, #tpu.memory_space<vmem_shared>>
      tpu.wait_dma2 semaphore(%run_scoped3A : memref<!tpu.dma_semaphore, #tpu.memory_space<semaphore_mem>>) src(%dma_wait3A_42 : memref<632x64xf32, #tpu.memory_space<vmem_shared>>) dst(%dma_wait3A_40 : memref<632x64xf32, #tpu.memory_space<hbm>>)
      tpu.yield
    }) : () -> ()
    return
  }
}

module attributes {stable_mosaic.version = 14 : i64} {
  func.func @_tc_xr_body(%arg0: i32, %arg1: memref<2000x128xf32, #tpu.memory_space<vmem>>, %arg2: memref<128x128xf32, #tpu.memory_space<vmem>>, %arg3: memref<1x128xf32, #tpu.memory_space<vmem>>, %arg4: memref<2000x128xf32, #tpu.memory_space<vmem>>) attributes {dimension_semantics = [#tpu.dimension_semantics<arbitrary>], iteration_bounds = array<i64: 5>, scalar_prefetch = 0 : i64, scratch_operands = 0 : i64, tpu.core_type = #tpu.core_type<tc>, window_params = [{transform_indices = @transform_0, window_bounds = array<i64: 2000, 128>}, {pipeline_mode = #tpu.pipeline_mode<synchronous>, transform_indices = @transform_1, window_bounds = array<i64: 128, 128>}, {pipeline_mode = #tpu.pipeline_mode<synchronous>, transform_indices = @transform_2, window_bounds = array<i64: 1, 128>}, {transform_indices = @transform_3, window_bounds = array<i64: 2000, 128>}]} {
    %get3A = arith.constant 0 : index
    %get3A_0 = arith.constant 0 : index
    %get3A_1 = vector.load %arg1[%get3A, %get3A_0] : memref<2000x128xf32, #tpu.memory_space<vmem>>, vector<2000x128xf32>
    %get3A_2 = arith.constant 0 : index
    %get3A_3 = arith.constant 0 : index
    %get3A_4 = vector.load %arg2[%get3A_2, %get3A_3] : memref<128x128xf32, #tpu.memory_space<vmem>>, vector<128x128xf32>
    %dot_general3A = arith.constant dense<0.000000e+00> : vector<2000x128xf32>
    %dot_general3A_5 = tpu.matmul %get3A_1, %get3A_4, %dot_general3A {dimension_numbers = #tpu.dot_dimension_numbers<[1], [0], [0], [1], [0, 0, 1, 1], [], []>, transpose_lhs_hint = false} : vector<2000x128xf32>, vector<128x128xf32>, vector<2000x128xf32> -> vector<2000x128xf32>
    %get3A_6 = arith.constant 0 : index
    %get3A_7 = arith.constant 0 : index
    %get3A_8 = vector.load %arg3[%get3A_6, %get3A_7] : memref<1x128xf32, #tpu.memory_space<vmem>>, vector<1x128xf32>
    %add3A = vector.broadcast %get3A_8 : vector<1x128xf32> to vector<2000x128xf32>
    %add3A_9 = arith.addf %dot_general3A_5, %add3A : vector<2000x128xf32>
    %swap3A = arith.constant 0 : index
    %swap3A_10 = arith.constant 0 : index
    %swap3A_11 = vector.load %arg4[%swap3A, %swap3A_10] : memref<2000x128xf32, #tpu.memory_space<vmem>>, vector<2000x128xf32>
    tpu.vector_store %arg4[%swap3A, %swap3A_10], %add3A_9 {strides = array<i32>} : memref<2000x128xf32, #tpu.memory_space<vmem>>, vector<2000x128xf32>,
    return
  }
  func.func @transform_0(%arg0: i32) -> (i32, i32) {
    %c0_i32 = arith.constant 0 : i32
    %c0_i32_0 = arith.constant 0 : i32
    return %arg0, %c0_i32 : i32, i32
  }
  func.func @transform_1(%arg0: i32) -> (i32, i32) {
    %c0_i32 = arith.constant 0 : i32
    %c0_i32_0 = arith.constant 0 : i32
    %c0_i32_1 = arith.constant 0 : i32
    return %c0_i32, %c0_i32_0 : i32, i32
  }
  func.func @transform_2(%arg0: i32) -> (i32, i32) {
    %c0_i32 = arith.constant 0 : i32
    %c0_i32_0 = arith.constant 0 : i32
    %c0_i32_1 = arith.constant 0 : i32
    return %c0_i32, %c0_i32_0 : i32, i32
  }
  func.func @transform_3(%arg0: i32) -> (i32, i32) {
    %c0_i32 = arith.constant 0 : i32
    %c0_i32_0 = arith.constant 0 : i32
    return %arg0, %c0_i32 : i32, i32
  }
}

module attributes {stable_mosaic.version = 14 : i64} {
  func.func @_tc_layer_body(%arg0: i32, %arg1: memref<2x2000x64xf32, #tpu.memory_space<vmem>>, %arg2: memref<2x2000x16xf32, #tpu.memory_space<vmem>>, %arg3: memref<2000x128xf32, #tpu.memory_space<vmem>>, %arg4: memref<128x128xf32, #tpu.memory_space<vmem>>, %arg5: memref<2x2000x64xf32, #tpu.memory_space<vmem>>) attributes {dimension_semantics = [#tpu.dimension_semantics<arbitrary>], iteration_bounds = array<i64: 5>, scalar_prefetch = 0 : i64, scratch_operands = 0 : i64, tpu.core_type = #tpu.core_type<tc>, window_params = [{transform_indices = @transform_0, window_bounds = array<i64: 2, 2000, 64>}, {transform_indices = @transform_1, window_bounds = array<i64: 2, 2000, 16>}, {transform_indices = @transform_2, window_bounds = array<i64: 2000, 128>}, {pipeline_mode = #tpu.pipeline_mode<synchronous>, transform_indices = @transform_3, window_bounds = array<i64: 128, 128>}, {transform_indices = @transform_4, window_bounds = array<i64: 2, 2000, 64>}]} {
    %get3A = arith.constant 0 : index
    %get3A_0 = arith.constant 0 : index
    %get3A_1 = arith.constant 0 : index
    %get3A_2 = vector.load %arg1[%get3A, %get3A_0, %get3A_1] : memref<2x2000x64xf32, #tpu.memory_space<vmem>>, vector<1x2000x64xf32>
    %get3A_3 = vector.shape_cast %get3A_2 : vector<1x2000x64xf32> to vector<2000x64xf32>
    %get3A_4 = arith.constant 1 : index
    %get3A_5 = arith.constant 0 : index
    %get3A_6 = arith.constant 0 : index
    %get3A_7 = vector.load %arg1[%get3A_4, %get3A_5, %get3A_6] : memref<2x2000x64xf32, #tpu.memory_space<vmem>>, vector<1x2000x64xf32>
    %get3A_8 = vector.shape_cast %get3A_7 : vector<1x2000x64xf32> to vector<2000x64xf32>
    %concatenate3A = tpu.concatenate %get3A_3, %get3A_8 in 1 : vector<2000x64xf32>, vector<2000x64xf32> -> vector<2000x128xf32>
    %get3A_9 = arith.constant 0 : index
    %get3A_10 = arith.constant 0 : index
    %get3A_11 = arith.constant 0 : index
    %get3A_12 = vector.load %arg2[%get3A_9, %get3A_10, %get3A_11] : memref<2x2000x16xf32, #tpu.memory_space<vmem>>, vector<1x2000x1xf32>
    %get3A_13 = vector.shape_cast %get3A_12 : vector<1x2000x1xf32> to vector<2000xf32>
    %get3A_14 = arith.constant 1 : index
    %get3A_15 = arith.constant 0 : index
    %get3A_16 = arith.constant 0 : index
    %get3A_17 = vector.load %arg2[%get3A_14, %get3A_15, %get3A_16] : memref<2x2000x16xf32, #tpu.memory_space<vmem>>, vector<1x2000x1xf32>
    %get3A_18 = vector.shape_cast %get3A_17 : vector<1x2000x1xf32> to vector<2000xf32>
    %add3A = arith.addf %get3A_13, %get3A_18 : vector<2000xf32>
    %max3A = arith.constant 1.000000e+00 : f32
    %max3A_19 = vector.broadcast %max3A : f32 to vector<2000xf32>
    %max3A_20 = arith.maximumf %add3A, %max3A_19 : vector<2000xf32>
    %div3A = arith.constant 1.000000e+00 : f32
    %div3A_21 = vector.broadcast %div3A : f32 to vector<2000xf32>
    %div3A_22 = arith.divf %div3A_21, %max3A_20 : vector<2000xf32>
    %broadcast_in_dim3A = vector.shape_cast %div3A_22 : vector<2000xf32> to vector<2000x1xf32>
    %mul3A = vector.broadcast %broadcast_in_dim3A : vector<2000x1xf32> to vector<2000x128xf32>
    %mul3A_23 = arith.mulf %concatenate3A, %mul3A : vector<2000x128xf32>
    %get3A_24 = arith.constant 0 : index
    %get3A_25 = arith.constant 0 : index
    %get3A_26 = vector.load %arg4[%get3A_24, %get3A_25] : memref<128x128xf32, #tpu.memory_space<vmem>>, vector<128x128xf32>
    %dot_general3A = arith.constant dense<0.000000e+00> : vector<2000x128xf32>
    %dot_general3A_27 = tpu.matmul %mul3A_23, %get3A_26, %dot_general3A {dimension_numbers = #tpu.dot_dimension_numbers<[1], [0], [0], [1], [0, 0, 1, 1], [], []>, transpose_lhs_hint = false} : vector<2000x128xf32>, vector<128x128xf32>, vector<2000x128xf32> -> vector<2000x128xf32>
    %get3A_28 = arith.constant 0 : index
    %get3A_29 = arith.constant 0 : index
    %get3A_30 = vector.load %arg3[%get3A_28, %get3A_29] : memref<2000x128xf32, #tpu.memory_space<vmem>>, vector<2000x128xf32>
    %add3A_31 = arith.addf %dot_general3A_27, %get3A_30 : vector<2000x128xf32>
    %max3A_32 = arith.constant 0.000000e+00 : f32
    %max3A_33 = vector.broadcast %max3A_32 : f32 to vector<2000x128xf32>
    %max3A_34 = arith.maximumf %add3A_31, %max3A_33 : vector<2000x128xf32>
    %slice3A = vector.extract_strided_slice %max3A_34 {offsets = [0, 0], sizes = [2000, 64], strides = [1, 1]} : vector<2000x128xf32> to vector<2000x64xf32>
    %swap3A = arith.constant 0 : index
    %swap3A_35 = arith.constant 0 : index
    %swap3A_36 = arith.constant 0 : index
    %swap3A_37 = vector.load %arg5[%swap3A, %swap3A_35, %swap3A_36] : memref<2x2000x64xf32, #tpu.memory_space<vmem>>, vector<1x2000x64xf32>
    %swap3A_38 = vector.shape_cast %swap3A_37 : vector<1x2000x64xf32> to vector<2000x64xf32>
    %swap3A_39 = vector.shape_cast %slice3A : vector<2000x64xf32> to vector<1x2000x64xf32>
    tpu.vector_store %arg5[%swap3A, %swap3A_35, %swap3A_36], %swap3A_39 {strides = array<i32>} : memref<2x2000x64xf32, #tpu.memory_space<vmem>>, vector<1x2000x64xf32>,
    %slice3A_40 = vector.extract_strided_slice %max3A_34 {offsets = [0, 64], sizes = [2000, 64], strides = [1, 1]} : vector<2000x128xf32> to vector<2000x64xf32>
    %swap3A_41 = arith.constant 1 : index
    %swap3A_42 = arith.constant 0 : index
    %swap3A_43 = arith.constant 0 : index
    %swap3A_44 = vector.load %arg5[%swap3A_41, %swap3A_42, %swap3A_43] : memref<2x2000x64xf32, #tpu.memory_space<vmem>>, vector<1x2000x64xf32>
    %swap3A_45 = vector.shape_cast %swap3A_44 : vector<1x2000x64xf32> to vector<2000x64xf32>
    %swap3A_46 = vector.shape_cast %slice3A_40 : vector<2000x64xf32> to vector<1x2000x64xf32>
    tpu.vector_store %arg5[%swap3A_41, %swap3A_42, %swap3A_43], %swap3A_46 {strides = array<i32>} : memref<2x2000x64xf32, #tpu.memory_space<vmem>>, vector<1x2000x64xf32>,
    return
  }
  func.func @transform_0(%arg0: i32) -> (i32, i32, i32) {
    %c0_i32 = arith.constant 0 : i32
    %c0_i32_0 = arith.constant 0 : i32
    %c0_i32_1 = arith.constant 0 : i32
    return %c0_i32, %arg0, %c0_i32_0 : i32, i32, i32
  }
  func.func @transform_1(%arg0: i32) -> (i32, i32, i32) {
    %c0_i32 = arith.constant 0 : i32
    %c0_i32_0 = arith.constant 0 : i32
    %c0_i32_1 = arith.constant 0 : i32
    return %c0_i32, %arg0, %c0_i32_0 : i32, i32, i32
  }
  func.func @transform_2(%arg0: i32) -> (i32, i32) {
    %c0_i32 = arith.constant 0 : i32
    %c0_i32_0 = arith.constant 0 : i32
    return %arg0, %c0_i32 : i32, i32
  }
  func.func @transform_3(%arg0: i32) -> (i32, i32) {
    %c0_i32 = arith.constant 0 : i32
    %c0_i32_0 = arith.constant 0 : i32
    %c0_i32_1 = arith.constant 0 : i32
    return %c0_i32, %c0_i32_0 : i32, i32
  }
  func.func @transform_4(%arg0: i32) -> (i32, i32, i32) {
    %c0_i32 = arith.constant 0 : i32
    %c0_i32_0 = arith.constant 0 : i32
    %c0_i32_1 = arith.constant 0 : i32
    return %c0_i32, %arg0, %c0_i32_0 : i32, i32, i32
  }
}

module attributes {stable_mosaic.version = 14 : i64} {
  func.func @_tc_xr_body(%arg0: i32, %arg1: memref<2x2000x64xf32, #tpu.memory_space<vmem>>, %arg2: memref<128x128xf32, #tpu.memory_space<vmem>>, %arg3: memref<1x128xf32, #tpu.memory_space<vmem>>, %arg4: memref<2000x128xf32, #tpu.memory_space<vmem>>) attributes {dimension_semantics = [#tpu.dimension_semantics<arbitrary>], iteration_bounds = array<i64: 5>, scalar_prefetch = 0 : i64, scratch_operands = 0 : i64, tpu.core_type = #tpu.core_type<tc>, window_params = [{transform_indices = @transform_0, window_bounds = array<i64: 2, 2000, 64>}, {pipeline_mode = #tpu.pipeline_mode<synchronous>, transform_indices = @transform_1, window_bounds = array<i64: 128, 128>}, {pipeline_mode = #tpu.pipeline_mode<synchronous>, transform_indices = @transform_2, window_bounds = array<i64: 1, 128>}, {transform_indices = @transform_3, window_bounds = array<i64: 2000, 128>}]} {
    %get3A = arith.constant 0 : index
    %get3A_0 = arith.constant 0 : index
    %get3A_1 = arith.constant 0 : index
    %get3A_2 = vector.load %arg1[%get3A, %get3A_0, %get3A_1] : memref<2x2000x64xf32, #tpu.memory_space<vmem>>, vector<1x2000x64xf32>
    %get3A_3 = vector.shape_cast %get3A_2 : vector<1x2000x64xf32> to vector<2000x64xf32>
    %get3A_4 = arith.constant 1 : index
    %get3A_5 = arith.constant 0 : index
    %get3A_6 = arith.constant 0 : index
    %get3A_7 = vector.load %arg1[%get3A_4, %get3A_5, %get3A_6] : memref<2x2000x64xf32, #tpu.memory_space<vmem>>, vector<1x2000x64xf32>
    %get3A_8 = vector.shape_cast %get3A_7 : vector<1x2000x64xf32> to vector<2000x64xf32>
    %concatenate3A = tpu.concatenate %get3A_3, %get3A_8 in 1 : vector<2000x64xf32>, vector<2000x64xf32> -> vector<2000x128xf32>
    %get3A_9 = arith.constant 0 : index
    %get3A_10 = arith.constant 0 : index
    %get3A_11 = vector.load %arg2[%get3A_9, %get3A_10] : memref<128x128xf32, #tpu.memory_space<vmem>>, vector<128x128xf32>
    %dot_general3A = arith.constant dense<0.000000e+00> : vector<2000x128xf32>
    %dot_general3A_12 = tpu.matmul %concatenate3A, %get3A_11, %dot_general3A {dimension_numbers = #tpu.dot_dimension_numbers<[1], [0], [0], [1], [0, 0, 1, 1], [], []>, transpose_lhs_hint = false} : vector<2000x128xf32>, vector<128x128xf32>, vector<2000x128xf32> -> vector<2000x128xf32>
    %get3A_13 = arith.constant 0 : index
    %get3A_14 = arith.constant 0 : index
    %get3A_15 = vector.load %arg3[%get3A_13, %get3A_14] : memref<1x128xf32, #tpu.memory_space<vmem>>, vector<1x128xf32>
    %add3A = vector.broadcast %get3A_15 : vector<1x128xf32> to vector<2000x128xf32>
    %add3A_16 = arith.addf %dot_general3A_12, %add3A : vector<2000x128xf32>
    %swap3A = arith.constant 0 : index
    %swap3A_17 = arith.constant 0 : index
    %swap3A_18 = vector.load %arg4[%swap3A, %swap3A_17] : memref<2000x128xf32, #tpu.memory_space<vmem>>, vector<2000x128xf32>
    tpu.vector_store %arg4[%swap3A, %swap3A_17], %add3A_16 {strides = array<i32>} : memref<2000x128xf32, #tpu.memory_space<vmem>>, vector<2000x128xf32>,
    return
  }
  func.func @transform_0(%arg0: i32) -> (i32, i32, i32) {
    %c0_i32 = arith.constant 0 : i32
    %c0_i32_0 = arith.constant 0 : i32
    %c0_i32_1 = arith.constant 0 : i32
    return %c0_i32, %arg0, %c0_i32_0 : i32, i32, i32
  }
  func.func @transform_1(%arg0: i32) -> (i32, i32) {
    %c0_i32 = arith.constant 0 : i32
    %c0_i32_0 = arith.constant 0 : i32
    %c0_i32_1 = arith.constant 0 : i32
    return %c0_i32, %c0_i32_0 : i32, i32
  }
  func.func @transform_2(%arg0: i32) -> (i32, i32) {
    %c0_i32 = arith.constant 0 : i32
    %c0_i32_0 = arith.constant 0 : i32
    %c0_i32_1 = arith.constant 0 : i32
    return %c0_i32, %c0_i32_0 : i32, i32
  }
  func.func @transform_3(%arg0: i32) -> (i32, i32) {
    %c0_i32 = arith.constant 0 : i32
    %c0_i32_0 = arith.constant 0 : i32
    return %arg0, %c0_i32 : i32, i32
  }
}

module attributes {stable_mosaic.version = 14 : i64} {
  func.func @_tc_final_body(%arg0: i32, %arg1: memref<2x2000x64xf32, #tpu.memory_space<vmem>>, %arg2: memref<2x2000x16xf32, #tpu.memory_space<vmem>>, %arg3: memref<2000x128xf32, #tpu.memory_space<vmem>>, %arg4: memref<128x128xf32, #tpu.memory_space<vmem>>, %arg5: memref<2000x1xi32, #tpu.memory_space<vmem>>, %arg6: memref<64x16xf32, #tpu.memory_space<vmem>>, %arg7: memref<16x128xf32, #tpu.memory_space<vmem>>, %arg8: memref<1x128xf32, #tpu.memory_space<vmem>>, %arg9: memref<128x128xf32, #tpu.memory_space<vmem>>, %arg10: memref<128x128xf32, #tpu.memory_space<vmem>>, %arg11: memref<128x128xf32, #tpu.memory_space<vmem>>, %arg12: memref<1x128xf32, #tpu.memory_space<vmem>>, %arg13: memref<64x128xf32, #tpu.memory_space<vmem>>, %arg14: memref<64x128xf32, #tpu.memory_space<vmem>>, %arg15: memref<64x128xf32, #tpu.memory_space<vmem>>, %arg16: memref<64x128xf32, #tpu.memory_space<vmem>>) attributes {dimension_semantics = [#tpu.dimension_semantics<arbitrary>], iteration_bounds = array<i64: 5>, scalar_prefetch = 0 : i64, scratch_operands = 3 : i64, tpu.core_type = #tpu.core_type<tc>, window_params = [{transform_indices = @transform_0, window_bounds = array<i64: 2, 2000, 64>}, {transform_indices = @transform_1, window_bounds = array<i64: 2, 2000, 16>}, {transform_indices = @transform_2, window_bounds = array<i64: 2000, 128>}, {pipeline_mode = #tpu.pipeline_mode<synchronous>, transform_indices = @transform_3, window_bounds = array<i64: 128, 128>}, {transform_indices = @transform_4, window_bounds = array<i64: 2000, 1>}, {pipeline_mode = #tpu.pipeline_mode<synchronous>, transform_indices = @transform_5, window_bounds = array<i64: 64, 16>}, {pipeline_mode = #tpu.pipeline_mode<synchronous>, transform_indices = @transform_6, window_bounds = array<i64: 16, 128>}, {pipeline_mode = #tpu.pipeline_mode<synchronous>, transform_indices = @transform_7, window_bounds = array<i64: 1, 128>}, {pipeline_mode = #tpu.pipeline_mode<synchronous>, transform_indices = @transform_8, window_bounds = array<i64: 128, 128>}, {pipeline_mode = #tpu.pipeline_mode<synchronous>, transform_indices = @transform_9, window_bounds = array<i64: 128, 128>}, {pipeline_mode = #tpu.pipeline_mode<synchronous>, transform_indices = @transform_10, window_bounds = array<i64: 128, 128>}, {pipeline_mode = #tpu.pipeline_mode<synchronous>, transform_indices = @transform_11, window_bounds = array<i64: 1, 128>}, {pipeline_mode = #tpu.pipeline_mode<synchronous>, transform_indices = @transform_12, window_bounds = array<i64: 64, 128>}]} {
    %eq3A = arith.constant 0 : i32
    %eq3A_0 = arith.cmpi eq, %arg0, %eq3A : i32
    %convert_element_type3A = arith.extui %eq3A_0 : i1 to i32
    %cond3A = arith.constant 0 : i32
    %cond3A_1 = arith.cmpi ne, %convert_element_type3A, %cond3A : i32
    scf.if %cond3A_1 {
      %broadcast_in_dim3A_194 = arith.constant 0.000000e+00 : f32
      %broadcast_in_dim3A_195 = vector.broadcast %broadcast_in_dim3A_194 : f32 to vector<64x128xf32>
      %swap3A_196 = arith.constant 0 : index
      %swap3A_197 = arith.constant 0 : index
      %swap3A_198 = vector.load %arg14[%swap3A_196, %swap3A_197] : memref<64x128xf32, #tpu.memory_space<vmem>>, vector<64x128xf32>
      tpu.vector_store %arg14[%swap3A_196, %swap3A_197], %broadcast_in_dim3A_195 {strides = array<i32>} : memref<64x128xf32, #tpu.memory_space<vmem>>, vector<64x128xf32>,
      %broadcast_in_dim3A_199 = arith.constant 0.000000e+00 : f32
      %broadcast_in_dim3A_200 = vector.broadcast %broadcast_in_dim3A_199 : f32 to vector<64x128xf32>
      %swap3A_201 = arith.constant 0 : index
      %swap3A_202 = arith.constant 0 : index
      %swap3A_203 = vector.load %arg15[%swap3A_201, %swap3A_202] : memref<64x128xf32, #tpu.memory_space<vmem>>, vector<64x128xf32>
      tpu.vector_store %arg15[%swap3A_201, %swap3A_202], %broadcast_in_dim3A_200 {strides = array<i32>} : memref<64x128xf32, #tpu.memory_space<vmem>>, vector<64x128xf32>,
      %broadcast_in_dim3A_204 = arith.constant 0xFF800000 : f32
      %broadcast_in_dim3A_205 = vector.broadcast %broadcast_in_dim3A_204 : f32 to vector<64x128xf32>
      %swap3A_206 = arith.constant 0 : index
      %swap3A_207 = arith.constant 0 : index
      %swap3A_208 = vector.load %arg16[%swap3A_206, %swap3A_207] : memref<64x128xf32, #tpu.memory_space<vmem>>, vector<64x128xf32>
      tpu.vector_store %arg16[%swap3A_206, %swap3A_207], %broadcast_in_dim3A_205 {strides = array<i32>} : memref<64x128xf32, #tpu.memory_space<vmem>>, vector<64x128xf32>,
    } else {
    }
    %get3A = arith.constant 0 : index
    %get3A_2 = arith.constant 0 : index
    %get3A_3 = arith.constant 0 : index
    %get3A_4 = vector.load %arg1[%get3A, %get3A_2, %get3A_3] : memref<2x2000x64xf32, #tpu.memory_space<vmem>>, vector<1x2000x64xf32>
    %get3A_5 = vector.shape_cast %get3A_4 : vector<1x2000x64xf32> to vector<2000x64xf32>
    %get3A_6 = arith.constant 1 : index
    %get3A_7 = arith.constant 0 : index
    %get3A_8 = arith.constant 0 : index
    %get3A_9 = vector.load %arg1[%get3A_6, %get3A_7, %get3A_8] : memref<2x2000x64xf32, #tpu.memory_space<vmem>>, vector<1x2000x64xf32>
    %get3A_10 = vector.shape_cast %get3A_9 : vector<1x2000x64xf32> to vector<2000x64xf32>
    %concatenate3A = tpu.concatenate %get3A_5, %get3A_10 in 1 : vector<2000x64xf32>, vector<2000x64xf32> -> vector<2000x128xf32>
    %get3A_11 = arith.constant 0 : index
    %get3A_12 = arith.constant 0 : index
    %get3A_13 = arith.constant 0 : index
    %get3A_14 = vector.load %arg2[%get3A_11, %get3A_12, %get3A_13] : memref<2x2000x16xf32, #tpu.memory_space<vmem>>, vector<1x2000x1xf32>
    %get3A_15 = vector.shape_cast %get3A_14 : vector<1x2000x1xf32> to vector<2000xf32>
    %get3A_16 = arith.constant 1 : index
    %get3A_17 = arith.constant 0 : index
    %get3A_18 = arith.constant 0 : index
    %get3A_19 = vector.load %arg2[%get3A_16, %get3A_17, %get3A_18] : memref<2x2000x16xf32, #tpu.memory_space<vmem>>, vector<1x2000x1xf32>
    %get3A_20 = vector.shape_cast %get3A_19 : vector<1x2000x1xf32> to vector<2000xf32>
    %add3A = arith.addf %get3A_15, %get3A_20 : vector<2000xf32>
    %max3A = arith.constant 1.000000e+00 : f32
    %max3A_21 = vector.broadcast %max3A : f32 to vector<2000xf32>
    %max3A_22 = arith.maximumf %add3A, %max3A_21 : vector<2000xf32>
    %div3A = arith.constant 1.000000e+00 : f32
    %div3A_23 = vector.broadcast %div3A : f32 to vector<2000xf32>
    %div3A_24 = arith.divf %div3A_23, %max3A_22 : vector<2000xf32>
    %broadcast_in_dim3A = vector.shape_cast %div3A_24 : vector<2000xf32> to vector<2000x1xf32>
    %mul3A = vector.broadcast %broadcast_in_dim3A : vector<2000x1xf32> to vector<2000x128xf32>
    %mul3A_25 = arith.mulf %concatenate3A, %mul3A : vector<2000x128xf32>
    %get3A_26 = arith.constant 0 : index
    %get3A_27 = arith.constant 0 : index
    %get3A_28 = vector.load %arg4[%get3A_26, %get3A_27] : memref<128x128xf32, #tpu.memory_space<vmem>>, vector<128x128xf32>
    %dot_general3A = arith.constant dense<0.000000e+00> : vector<2000x128xf32>
    %dot_general3A_29 = tpu.matmul %mul3A_25, %get3A_28, %dot_general3A {dimension_numbers = #tpu.dot_dimension_numbers<[1], [0], [0], [1], [0, 0, 1, 1], [], []>, transpose_lhs_hint = false} : vector<2000x128xf32>, vector<128x128xf32>, vector<2000x128xf32> -> vector<2000x128xf32>
    %get3A_30 = arith.constant 0 : index
    %get3A_31 = arith.constant 0 : index
    %get3A_32 = vector.load %arg3[%get3A_30, %get3A_31] : memref<2000x128xf32, #tpu.memory_space<vmem>>, vector<2000x128xf32>
    %add3A_33 = arith.addf %dot_general3A_29, %get3A_32 : vector<2000x128xf32>
    %get3A_34 = arith.constant 0 : index
    %get3A_35 = arith.constant 0 : index
    %get3A_36 = vector.load %arg5[%get3A_34, %get3A_35] : memref<2000x1xi32, #tpu.memory_space<vmem>>, vector<2000x1xi32>
    %iota3A = tpu.iota {dimensions = array<i32: 1>} : vector<2000x64xi32>
    %eq3A_37 = vector.broadcast %get3A_36 : vector<2000x1xi32> to vector<2000x64xi32>
    %eq3A_38 = arith.cmpi eq, %eq3A_37, %iota3A : vector<2000x64xi32>
    %convert_element_type3A_39 = arith.extui %eq3A_38 : vector<2000x64xi1> to vector<2000x64xi32>
    %convert_element_type3A_40 = arith.sitofp %convert_element_type3A_39 : vector<2000x64xi32> to vector<2000x64xf32>
    %get3A_41 = arith.constant 0 : index
    %get3A_42 = arith.constant 0 : index
    %get3A_43 = vector.load %arg14[%get3A_41, %get3A_42] : memref<64x128xf32, #tpu.memory_space<vmem>>, vector<64x128xf32>
    %dot_general3A_44 = arith.constant dense<0.000000e+00> : vector<64x128xf32>
    %dot_general3A_45 = tpu.matmul %convert_element_type3A_40, %add3A_33, %dot_general3A_44 {dimension_numbers = #tpu.dot_dimension_numbers<[0], [0], [1], [1], [0, 1, 1, 1], [], []>, transpose_lhs_hint = false} : vector<2000x64xf32>, vector<2000x128xf32>, vector<64x128xf32> -> vector<64x128xf32>
    %add3A_46 = arith.addf %get3A_43, %dot_general3A_45 : vector<64x128xf32>
    %swap3A = arith.constant 0 : index
    %swap3A_47 = arith.constant 0 : index
    %swap3A_48 = vector.load %arg14[%swap3A, %swap3A_47] : memref<64x128xf32, #tpu.memory_space<vmem>>, vector<64x128xf32>
    tpu.vector_store %arg14[%swap3A, %swap3A_47], %add3A_46 {strides = array<i32>} : memref<64x128xf32, #tpu.memory_space<vmem>>, vector<64x128xf32>,
    %get3A_49 = arith.constant 0 : index
    %get3A_50 = arith.constant 0 : index
    %get3A_51 = vector.load %arg15[%get3A_49, %get3A_50] : memref<64x128xf32, #tpu.memory_space<vmem>>, vector<64x128xf32>
    %broadcast_in_dim3A_52 = arith.constant 1.000000e+00 : f32
    %broadcast_in_dim3A_53 = vector.broadcast %broadcast_in_dim3A_52 : f32 to vector<2000x128xf32>
    %dot_general3A_54 = arith.constant dense<0.000000e+00> : vector<64x128xf32>
    %dot_general3A_55 = tpu.matmul %convert_element_type3A_40, %broadcast_in_dim3A_53, %dot_general3A_54 {dimension_numbers = #tpu.dot_dimension_numbers<[0], [0], [1], [1], [0, 1, 1, 1], [], []>, transpose_lhs_hint = false} : vector<2000x64xf32>, vector<2000x128xf32>, vector<64x128xf32> -> vector<64x128xf32>
    %add3A_56 = arith.addf %get3A_51, %dot_general3A_55 : vector<64x128xf32>
    %swap3A_57 = arith.constant 0 : index
    %swap3A_58 = arith.constant 0 : index
    %swap3A_59 = vector.load %arg15[%swap3A_57, %swap3A_58] : memref<64x128xf32, #tpu.memory_space<vmem>>, vector<64x128xf32>
    tpu.vector_store %arg15[%swap3A_57, %swap3A_58], %add3A_56 {strides = array<i32>} : memref<64x128xf32, #tpu.memory_space<vmem>>, vector<64x128xf32>,
    %broadcast_in_dim3A_60 = vector.shape_cast %get3A_36 : vector<2000x1xi32> to vector<2000x1xi32>
    %broadcast_in_dim3A_61 = vector.broadcast %broadcast_in_dim3A_60 : vector<2000x1xi32> to vector<2000x128xi32>
    %roll3A = arith.constant 1 : i32
    %roll3A_62 = tpu.dynamic_rotate %broadcast_in_dim3A_61 by %roll3A dim 0 : vector<2000x128xi32>, i32 -> vector<2000x128xi32>
    %roll3A_63 = arith.constant 1 : i32
    %roll3A_64 = tpu.dynamic_rotate %add3A_33 by %roll3A_63 dim 0 : vector<2000x128xf32>, i32 -> vector<2000x128xf32>
    %eq3A_65 = arith.cmpi eq, %broadcast_in_dim3A_61, %roll3A_62 : vector<2000x128xi32>
    %jit3A = arith.constant 0xFF800000 : f32
    %broadcast_in_dim3A_66 = vector.broadcast %jit3A : f32 to vector<2000x128xf32>
    %select_n3A = arith.select %eq3A_65, %roll3A_64, %broadcast_in_dim3A_66 : vector<2000x128xi1>, vector<2000x128xf32>
    %max3A_67 = arith.maximumf %add3A_33, %select_n3A : vector<2000x128xf32>
    %roll3A_68 = arith.constant 2 : i32
    %roll3A_69 = tpu.dynamic_rotate %broadcast_in_dim3A_61 by %roll3A_68 dim 0 : vector<2000x128xi32>, i32 -> vector<2000x128xi32>
    %roll3A_70 = arith.constant 2 : i32
    %roll3A_71 = tpu.dynamic_rotate %max3A_67 by %roll3A_70 dim 0 : vector<2000x128xf32>, i32 -> vector<2000x128xf32>
    %eq3A_72 = arith.cmpi eq, %broadcast_in_dim3A_61, %roll3A_69 : vector<2000x128xi32>
    %jit3A_73 = arith.constant 0xFF800000 : f32
    %broadcast_in_dim3A_74 = vector.broadcast %jit3A_73 : f32 to vector<2000x128xf32>
    %select_n3A_75 = arith.select %eq3A_72, %roll3A_71, %broadcast_in_dim3A_74 : vector<2000x128xi1>, vector<2000x128xf32>
    %max3A_76 = arith.maximumf %max3A_67, %select_n3A_75 : vector<2000x128xf32>
    %roll3A_77 = arith.constant 4 : i32
    %roll3A_78 = tpu.dynamic_rotate %broadcast_in_dim3A_61 by %roll3A_77 dim 0 : vector<2000x128xi32>, i32 -> vector<2000x128xi32>
    %roll3A_79 = arith.constant 4 : i32
    %roll3A_80 = tpu.dynamic_rotate %max3A_76 by %roll3A_79 dim 0 : vector<2000x128xf32>, i32 -> vector<2000x128xf32>
    %eq3A_81 = arith.cmpi eq, %broadcast_in_dim3A_61, %roll3A_78 : vector<2000x128xi32>
    %jit3A_82 = arith.constant 0xFF800000 : f32
    %broadcast_in_dim3A_83 = vector.broadcast %jit3A_82 : f32 to vector<2000x128xf32>
    %select_n3A_84 = arith.select %eq3A_81, %roll3A_80, %broadcast_in_dim3A_83 : vector<2000x128xi1>, vector<2000x128xf32>
    %max3A_85 = arith.maximumf %max3A_76, %select_n3A_84 : vector<2000x128xf32>
    %roll3A_86 = arith.constant 8 : i32
    %roll3A_87 = tpu.dynamic_rotate %broadcast_in_dim3A_61 by %roll3A_86 dim 0 : vector<2000x128xi32>, i32 -> vector<2000x128xi32>
    %roll3A_88 = arith.constant 8 : i32
    %roll3A_89 = tpu.dynamic_rotate %max3A_85 by %roll3A_88 dim 0 : vector<2000x128xf32>, i32 -> vector<2000x128xf32>
    %eq3A_90 = arith.cmpi eq, %broadcast_in_dim3A_61, %roll3A_87 : vector<2000x128xi32>
    %jit3A_91 = arith.constant 0xFF800000 : f32
    %broadcast_in_dim3A_92 = vector.broadcast %jit3A_91 : f32 to vector<2000x128xf32>
    %select_n3A_93 = arith.select %eq3A_90, %roll3A_89, %broadcast_in_dim3A_92 : vector<2000x128xi1>, vector<2000x128xf32>
    %max3A_94 = arith.maximumf %max3A_85, %select_n3A_93 : vector<2000x128xf32>
    %roll3A_95 = arith.constant 16 : i32
    %roll3A_96 = tpu.dynamic_rotate %broadcast_in_dim3A_61 by %roll3A_95 dim 0 : vector<2000x128xi32>, i32 -> vector<2000x128xi32>
    %roll3A_97 = arith.constant 16 : i32
    %roll3A_98 = tpu.dynamic_rotate %max3A_94 by %roll3A_97 dim 0 : vector<2000x128xf32>, i32 -> vector<2000x128xf32>
    %eq3A_99 = arith.cmpi eq, %broadcast_in_dim3A_61, %roll3A_96 : vector<2000x128xi32>
    %jit3A_100 = arith.constant 0xFF800000 : f32
    %broadcast_in_dim3A_101 = vector.broadcast %jit3A_100 : f32 to vector<2000x128xf32>
    %select_n3A_102 = arith.select %eq3A_99, %roll3A_98, %broadcast_in_dim3A_101 : vector<2000x128xi1>, vector<2000x128xf32>
    %max3A_103 = arith.maximumf %max3A_94, %select_n3A_102 : vector<2000x128xf32>
    %roll3A_104 = arith.constant 32 : i32
    %roll3A_105 = tpu.dynamic_rotate %broadcast_in_dim3A_61 by %roll3A_104 dim 0 : vector<2000x128xi32>, i32 -> vector<2000x128xi32>
    %roll3A_106 = arith.constant 32 : i32
    %roll3A_107 = tpu.dynamic_rotate %max3A_103 by %roll3A_106 dim 0 : vector<2000x128xf32>, i32 -> vector<2000x128xf32>
    %eq3A_108 = arith.cmpi eq, %broadcast_in_dim3A_61, %roll3A_105 : vector<2000x128xi32>
    %jit3A_109 = arith.constant 0xFF800000 : f32
    %broadcast_in_dim3A_110 = vector.broadcast %jit3A_109 : f32 to vector<2000x128xf32>
    %select_n3A_111 = arith.select %eq3A_108, %roll3A_107, %broadcast_in_dim3A_110 : vector<2000x128xi1>, vector<2000x128xf32>
    %max3A_112 = arith.maximumf %max3A_103, %select_n3A_111 : vector<2000x128xf32>
    %roll3A_113 = arith.constant 64 : i32
    %roll3A_114 = tpu.dynamic_rotate %broadcast_in_dim3A_61 by %roll3A_113 dim 0 : vector<2000x128xi32>, i32 -> vector<2000x128xi32>
    %roll3A_115 = arith.constant 64 : i32
    %roll3A_116 = tpu.dynamic_rotate %max3A_112 by %roll3A_115 dim 0 : vector<2000x128xf32>, i32 -> vector<2000x128xf32>
    %eq3A_117 = arith.cmpi eq, %broadcast_in_dim3A_61, %roll3A_114 : vector<2000x128xi32>
    %jit3A_118 = arith.constant 0xFF800000 : f32
    %broadcast_in_dim3A_119 = vector.broadcast %jit3A_118 : f32 to vector<2000x128xf32>
    %select_n3A_120 = arith.select %eq3A_117, %roll3A_116, %broadcast_in_dim3A_119 : vector<2000x128xi1>, vector<2000x128xf32>
    %max3A_121 = arith.maximumf %max3A_112, %select_n3A_120 : vector<2000x128xf32>
    %roll3A_122 = arith.constant 128 : i32
    %roll3A_123 = tpu.dynamic_rotate %broadcast_in_dim3A_61 by %roll3A_122 dim 0 : vector<2000x128xi32>, i32 -> vector<2000x128xi32>
    %roll3A_124 = arith.constant 128 : i32
    %roll3A_125 = tpu.dynamic_rotate %max3A_121 by %roll3A_124 dim 0 : vector<2000x128xf32>, i32 -> vector<2000x128xf32>
    %eq3A_126 = arith.cmpi eq, %broadcast_in_dim3A_61, %roll3A_123 : vector<2000x128xi32>
    %jit3A_127 = arith.constant 0xFF800000 : f32
    %broadcast_in_dim3A_128 = vector.broadcast %jit3A_127 : f32 to vector<2000x128xf32>
    %select_n3A_129 = arith.select %eq3A_126, %roll3A_125, %broadcast_in_dim3A_128 : vector<2000x128xi1>, vector<2000x128xf32>
    %max3A_130 = arith.maximumf %max3A_121, %select_n3A_129 : vector<2000x128xf32>
    %roll3A_131 = arith.constant 256 : i32
    %roll3A_132 = tpu.dynamic_rotate %broadcast_in_dim3A_61 by %roll3A_131 dim 0 : vector<2000x128xi32>, i32 -> vector<2000x128xi32>
    %roll3A_133 = arith.constant 256 : i32
    %roll3A_134 = tpu.dynamic_rotate %max3A_130 by %roll3A_133 dim 0 : vector<2000x128xf32>, i32 -> vector<2000x128xf32>
    %eq3A_135 = arith.cmpi eq, %broadcast_in_dim3A_61, %roll3A_132 : vector<2000x128xi32>
    %jit3A_136 = arith.constant 0xFF800000 : f32
    %broadcast_in_dim3A_137 = vector.broadcast %jit3A_136 : f32 to vector<2000x128xf32>
    %select_n3A_138 = arith.select %eq3A_135, %roll3A_134, %broadcast_in_dim3A_137 : vector<2000x128xi1>, vector<2000x128xf32>
    %max3A_139 = arith.maximumf %max3A_130, %select_n3A_138 : vector<2000x128xf32>
    %roll3A_140 = arith.constant 512 : i32
    %roll3A_141 = tpu.dynamic_rotate %broadcast_in_dim3A_61 by %roll3A_140 dim 0 : vector<2000x128xi32>, i32 -> vector<2000x128xi32>
    %roll3A_142 = arith.constant 512 : i32
    %roll3A_143 = tpu.dynamic_rotate %max3A_139 by %roll3A_142 dim 0 : vector<2000x128xf32>, i32 -> vector<2000x128xf32>
    %eq3A_144 = arith.cmpi eq, %broadcast_in_dim3A_61, %roll3A_141 : vector<2000x128xi32>
    %jit3A_145 = arith.constant 0xFF800000 : f32
    %broadcast_in_dim3A_146 = vector.broadcast %jit3A_145 : f32 to vector<2000x128xf32>
    %select_n3A_147 = arith.select %eq3A_144, %roll3A_143, %broadcast_in_dim3A_146 : vector<2000x128xi1>, vector<2000x128xf32>
    %max3A_148 = arith.maximumf %max3A_139, %select_n3A_147 : vector<2000x128xf32>
    %roll3A_149 = arith.constant 1024 : i32
    %roll3A_150 = tpu.dynamic_rotate %broadcast_in_dim3A_61 by %roll3A_149 dim 0 : vector<2000x128xi32>, i32 -> vector<2000x128xi32>
    %roll3A_151 = arith.constant 1024 : i32
    %roll3A_152 = tpu.dynamic_rotate %max3A_148 by %roll3A_151 dim 0 : vector<2000x128xf32>, i32 -> vector<2000x128xf32>
    %eq3A_153 = arith.cmpi eq, %broadcast_in_dim3A_61, %roll3A_150 : vector<2000x128xi32>
    %jit3A_154 = arith.constant 0xFF800000 : f32
    %broadcast_in_dim3A_155 = vector.broadcast %jit3A_154 : f32 to vector<2000x128xf32>
    %select_n3A_156 = arith.select %eq3A_153, %roll3A_152, %broadcast_in_dim3A_155 : vector<2000x128xi1>, vector<2000x128xf32>
    %max3A_157 = arith.maximumf %max3A_148, %select_n3A_156 : vector<2000x128xf32>
    %roll3A_158 = arith.constant 1999 : i32
    %roll3A_159 = tpu.dynamic_rotate %broadcast_in_dim3A_61 by %roll3A_158 dim 0 : vector<2000x128xi32>, i32 -> vector<2000x128xi32>
    %iota3A_160 = tpu.iota {dimensions = array<i32: 0>} : vector<2000x128xi32>
    %ne3A = arith.cmpi ne, %broadcast_in_dim3A_61, %roll3A_159 : vector<2000x128xi32>
    %eq3A_161 = arith.constant 1999 : i32
    %eq3A_162 = vector.broadcast %eq3A_161 : i32 to vector<2000x128xi32>
    %eq3A_163 = arith.cmpi eq, %iota3A_160, %eq3A_162 : vector<2000x128xi32>
    %or3A = arith.ori %ne3A, %eq3A_163 : vector<2000x128xi1>
    %slice3A = vector.extract_strided_slice %or3A {offsets = [0, 0], sizes = [2000, 1], strides = [1, 1]} : vector<2000x128xi1> to vector<2000x1xi1>
    %jit3A_164 = arith.constant 1.000000e+00 : f32
    %jit3A_165 = arith.constant 0.000000e+00 : f32
    %broadcast_in_dim3A_166 = vector.broadcast %jit3A_164 : f32 to vector<2000x1xf32>
    %broadcast_in_dim3A_167 = vector.broadcast %jit3A_165 : f32 to vector<2000x1xf32>
    %select_n3A_168 = arith.select %slice3A, %broadcast_in_dim3A_166, %broadcast_in_dim3A_167 : vector<2000x1xi1>, vector<2000x1xf32>
    %mul3A_169 = vector.broadcast %select_n3A_168 : vector<2000x1xf32> to vector<2000x64xf32>
    %mul3A_170 = arith.mulf %convert_element_type3A_40, %mul3A_169 : vector<2000x64xf32>
    %dot_general3A_171 = arith.constant dense<0.000000e+00> : vector<64x128xf32>
    %dot_general3A_172 = tpu.matmul %mul3A_170, %max3A_157, %dot_general3A_171 {dimension_numbers = #tpu.dot_dimension_numbers<[0], [0], [1], [1], [0, 1, 1, 1], [], []>, transpose_lhs_hint = false} : vector<2000x64xf32>, vector<2000x128xf32>, vector<64x128xf32> -> vector<64x128xf32>
    %broadcast_in_dim3A_173 = arith.constant 1.000000e+00 : f32
    %broadcast_in_dim3A_174 = vector.broadcast %broadcast_in_dim3A_173 : f32 to vector<2000x128xf32>
    %dot_general3A_175 = arith.constant dense<0.000000e+00> : vector<64x128xf32>
    %dot_general3A_176 = tpu.matmul %mul3A_170, %broadcast_in_dim3A_174, %dot_general3A_175 {dimension_numbers = #tpu.dot_dimension_numbers<[0], [0], [1], [1], [0, 1, 1, 1], [], []>, transpose_lhs_hint = false} : vector<2000x64xf32>, vector<2000x128xf32>, vector<64x128xf32> -> vector<64x128xf32>
    %get3A_177 = arith.constant 0 : index
    %get3A_178 = arith.constant 0 : index
    %get3A_179 = vector.load %arg16[%get3A_177, %get3A_178] : memref<64x128xf32, #tpu.memory_space<vmem>>, vector<64x128xf32>
    %gt3A = arith.constant 5.000000e-01 : f32
    %gt3A_180 = vector.broadcast %gt3A : f32 to vector<64x128xf32>
    %gt3A_181 = arith.cmpf ogt, %dot_general3A_176, %gt3A_180 : vector<64x128xf32>
    %jit3A_182 = arith.constant 0xFF800000 : f32
    %broadcast_in_dim3A_183 = vector.broadcast %jit3A_182 : f32 to vector<64x128xf32>
    %select_n3A_184 = arith.select %gt3A_181, %dot_general3A_172, %broadcast_in_dim3A_183 : vector<64x128xi1>, vector<64x128xf32>
    %max3A_185 = arith.maximumf %get3A_179, %select_n3A_184 : vector<64x128xf32>
    %swap3A_186 = arith.constant 0 : index
    %swap3A_187 = arith.constant 0 : index
    %swap3A_188 = vector.load %arg16[%swap3A_186, %swap3A_187] : memref<64x128xf32, #tpu.memory_space<vmem>>, vector<64x128xf32>
    tpu.vector_store %arg16[%swap3A_186, %swap3A_187], %max3A_185 {strides = array<i32>} : memref<64x128xf32, #tpu.memory_space<vmem>>, vector<64x128xf32>,
    %eq3A_189 = arith.constant 4 : i32
    %eq3A_190 = arith.cmpi eq, %arg0, %eq3A_189 : i32
    %convert_element_type3A_191 = arith.extui %eq3A_190 : i1 to i32
    %cond3A_192 = arith.constant 0 : i32
    %cond3A_193 = arith.cmpi ne, %convert_element_type3A_191, %cond3A_192 : i32
    scf.if %cond3A_193 {
      %get3A_194 = arith.constant 0 : index
      %get3A_195 = arith.constant 0 : index
      %get3A_196 = vector.load %arg14[%get3A_194, %get3A_195] : memref<64x128xf32, #tpu.memory_space<vmem>>, vector<64x128xf32>
      %get3A_197 = arith.constant 0 : index
      %get3A_198 = arith.constant 0 : index
      %get3A_199 = vector.load %arg15[%get3A_197, %get3A_198] : memref<64x128xf32, #tpu.memory_space<vmem>>, vector<64x128xf32>
      %max3A_200 = arith.constant 1.000000e+00 : f32
      %max3A_201 = vector.broadcast %max3A_200 : f32 to vector<64x128xf32>
      %max3A_202 = arith.maximumf %get3A_199, %max3A_201 : vector<64x128xf32>
      %div3A_203 = arith.constant 1.000000e+00 : f32
      %div3A_204 = vector.broadcast %div3A_203 : f32 to vector<64x128xf32>
      %div3A_205 = arith.divf %div3A_204, %max3A_202 : vector<64x128xf32>
      %mul3A_206 = arith.mulf %get3A_196, %div3A_205 : vector<64x128xf32>
      %get3A_207 = arith.constant 0 : index
      %get3A_208 = arith.constant 0 : index
      %get3A_209 = vector.load %arg6[%get3A_207, %get3A_208] : memref<64x16xf32, #tpu.memory_space<vmem>>, vector<64x16xf32>
      %get3A_210 = arith.constant 0 : index
      %get3A_211 = arith.constant 0 : index
      %get3A_212 = vector.load %arg7[%get3A_210, %get3A_211] : memref<16x128xf32, #tpu.memory_space<vmem>>, vector<16x128xf32>
      %dot_general3A_213 = arith.constant dense<0.000000e+00> : vector<64x128xf32>
      %dot_general3A_214 = tpu.matmul %get3A_209, %get3A_212, %dot_general3A_213 {dimension_numbers = #tpu.dot_dimension_numbers<[1], [0], [0], [1], [0, 0, 1, 1], [], []>, transpose_lhs_hint = false} : vector<64x16xf32>, vector<16x128xf32>, vector<64x128xf32> -> vector<64x128xf32>
      %get3A_215 = arith.constant 0 : index
      %get3A_216 = arith.constant 0 : index
      %get3A_217 = vector.load %arg8[%get3A_215, %get3A_216] : memref<1x128xf32, #tpu.memory_space<vmem>>, vector<1x128xf32>
      %add3A_218 = vector.broadcast %get3A_217 : vector<1x128xf32> to vector<64x128xf32>
      %add3A_219 = arith.addf %dot_general3A_214, %add3A_218 : vector<64x128xf32>
      %get3A_220 = arith.constant 0 : index
      %get3A_221 = arith.constant 0 : index
      %get3A_222 = vector.load %arg9[%get3A_220, %get3A_221] : memref<128x128xf32, #tpu.memory_space<vmem>>, vector<128x128xf32>
      %dot_general3A_223 = arith.constant dense<0.000000e+00> : vector<64x128xf32>
      %dot_general3A_224 = tpu.matmul %mul3A_206, %get3A_222, %dot_general3A_223 {dimension_numbers = #tpu.dot_dimension_numbers<[1], [0], [0], [1], [0, 0, 1, 1], [], []>, transpose_lhs_hint = false} : vector<64x128xf32>, vector<128x128xf32>, vector<64x128xf32> -> vector<64x128xf32>
      %get3A_225 = arith.constant 0 : index
      %get3A_226 = arith.constant 0 : index
      %get3A_227 = vector.load %arg16[%get3A_225, %get3A_226] : memref<64x128xf32, #tpu.memory_space<vmem>>, vector<64x128xf32>
      %get3A_228 = arith.constant 0 : index
      %get3A_229 = arith.constant 0 : index
      %get3A_230 = vector.load %arg10[%get3A_228, %get3A_229] : memref<128x128xf32, #tpu.memory_space<vmem>>, vector<128x128xf32>
      %dot_general3A_231 = arith.constant dense<0.000000e+00> : vector<64x128xf32>
      %dot_general3A_232 = tpu.matmul %get3A_227, %get3A_230, %dot_general3A_231 {dimension_numbers = #tpu.dot_dimension_numbers<[1], [0], [0], [1], [0, 0, 1, 1], [], []>, transpose_lhs_hint = false} : vector<64x128xf32>, vector<128x128xf32>, vector<64x128xf32> -> vector<64x128xf32>
      %add3A_233 = arith.addf %dot_general3A_224, %dot_general3A_232 : vector<64x128xf32>
      %get3A_234 = arith.constant 0 : index
      %get3A_235 = arith.constant 0 : index
      %get3A_236 = vector.load %arg11[%get3A_234, %get3A_235] : memref<128x128xf32, #tpu.memory_space<vmem>>, vector<128x128xf32>
      %dot_general3A_237 = arith.constant dense<0.000000e+00> : vector<64x128xf32>
      %dot_general3A_238 = tpu.matmul %add3A_219, %get3A_236, %dot_general3A_237 {dimension_numbers = #tpu.dot_dimension_numbers<[1], [0], [0], [1], [0, 0, 1, 1], [], []>, transpose_lhs_hint = false} : vector<64x128xf32>, vector<128x128xf32>, vector<64x128xf32> -> vector<64x128xf32>
      %add3A_239 = arith.addf %add3A_233, %dot_general3A_238 : vector<64x128xf32>
      %get3A_240 = arith.constant 0 : index
      %get3A_241 = arith.constant 0 : index
      %get3A_242 = vector.load %arg12[%get3A_240, %get3A_241] : memref<1x128xf32, #tpu.memory_space<vmem>>, vector<1x128xf32>
      %add3A_243 = vector.broadcast %get3A_242 : vector<1x128xf32> to vector<64x128xf32>
      %add3A_244 = arith.addf %add3A_239, %add3A_243 : vector<64x128xf32>
      %reduce_max3A = arith.constant dense<0xFF800000> : vector<64xf32>
      %reduce_max3A_245 = vector.multi_reduction <maximumf>, %add3A_244, %reduce_max3A [1] : vector<64x128xf32> to vector<64xf32>
      %broadcast_in_dim3A_246 = vector.shape_cast %reduce_max3A_245 : vector<64xf32> to vector<64x1xf32>
      %sub3A = vector.broadcast %broadcast_in_dim3A_246 : vector<64x1xf32> to vector<64x128xf32>
      %sub3A_247 = arith.subf %add3A_244, %sub3A : vector<64x128xf32>
      %exp3A = math.exp %sub3A_247 : vector<64x128xf32>
      %reduce_sum3A = arith.constant dense<0.000000e+00> : vector<64xf32>
      %reduce_sum3A_248 = vector.multi_reduction <add>, %exp3A, %reduce_sum3A [1] : vector<64x128xf32> to vector<64xf32>
      %broadcast_in_dim3A_249 = vector.shape_cast %reduce_sum3A_248 : vector<64xf32> to vector<64x1xf32>
      %log3A = math.log %broadcast_in_dim3A_249 : vector<64x1xf32>
      %add3A_250 = arith.addf %broadcast_in_dim3A_246, %log3A : vector<64x1xf32>
      %sub3A_251 = vector.broadcast %add3A_250 : vector<64x1xf32> to vector<64x128xf32>
      %sub3A_252 = arith.subf %add3A_244, %sub3A_251 : vector<64x128xf32>
      %swap3A_253 = arith.constant 0 : index
      %swap3A_254 = arith.constant 0 : index
      %swap3A_255 = vector.load %arg13[%swap3A_253, %swap3A_254] : memref<64x128xf32, #tpu.memory_space<vmem>>, vector<64x128xf32>
      tpu.vector_store %arg13[%swap3A_253, %swap3A_254], %sub3A_252 {strides = array<i32>} : memref<64x128xf32, #tpu.memory_space<vmem>>, vector<64x128xf32>,
    } else {
    }
    return
  }
  func.func @transform_0(%arg0: i32) -> (i32, i32, i32) {
    %c0_i32 = arith.constant 0 : i32
    %c0_i32_0 = arith.constant 0 : i32
    %c0_i32_1 = arith.constant 0 : i32
    return %c0_i32, %arg0, %c0_i32_0 : i32, i32, i32
  }
  func.func @transform_1(%arg0: i32) -> (i32, i32, i32) {
    %c0_i32 = arith.constant 0 : i32
    %c0_i32_0 = arith.constant 0 : i32
    %c0_i32_1 = arith.constant 0 : i32
    return %c0_i32, %arg0, %c0_i32_0 : i32, i32, i32
  }
  func.func @transform_2(%arg0: i32) -> (i32, i32) {
    %c0_i32 = arith.constant 0 : i32
    %c0_i32_0 = arith.constant 0 : i32
    return %arg0, %c0_i32 : i32, i32
  }
  func.func @transform_3(%arg0: i32) -> (i32, i32) {
    %c0_i32 = arith.constant 0 : i32
    %c0_i32_0 = arith.constant 0 : i32
    %c0_i32_1 = arith.constant 0 : i32
    return %c0_i32, %c0_i32_0 : i32, i32
  }
  func.func @transform_4(%arg0: i32) -> (i32, i32) {
    %c0_i32 = arith.constant 0 : i32
    %c0_i32_0 = arith.constant 0 : i32
    return %arg0, %c0_i32 : i32, i32
  }
  func.func @transform_5(%arg0: i32) -> (i32, i32) {
    %c0_i32 = arith.constant 0 : i32
    %c0_i32_0 = arith.constant 0 : i32
    %c0_i32_1 = arith.constant 0 : i32
    return %c0_i32, %c0_i32_0 : i32, i32
  }
  func.func @transform_6(%arg0: i32) -> (i32, i32) {
    %c0_i32 = arith.constant 0 : i32
    %c0_i32_0 = arith.constant 0 : i32
    %c0_i32_1 = arith.constant 0 : i32
    return %c0_i32, %c0_i32_0 : i32, i32
  }
  func.func @transform_7(%arg0: i32) -> (i32, i32) {
    %c0_i32 = arith.constant 0 : i32
    %c0_i32_0 = arith.constant 0 : i32
    %c0_i32_1 = arith.constant 0 : i32
    return %c0_i32, %c0_i32_0 : i32, i32
  }
  func.func @transform_8(%arg0: i32) -> (i32, i32) {
    %c0_i32 = arith.constant 0 : i32
    %c0_i32_0 = arith.constant 0 : i32
    %c0_i32_1 = arith.constant 0 : i32
    return %c0_i32, %c0_i32_0 : i32, i32
  }
  func.func @transform_9(%arg0: i32) -> (i32, i32) {
    %c0_i32 = arith.constant 0 : i32
    %c0_i32_0 = arith.constant 0 : i32
    %c0_i32_1 = arith.constant 0 : i32
    return %c0_i32, %c0_i32_0 : i32, i32
  }
  func.func @transform_10(%arg0: i32) -> (i32, i32) {
    %c0_i32 = arith.constant 0 : i32
    %c0_i32_0 = arith.constant 0 : i32
    %c0_i32_1 = arith.constant 0 : i32
    return %c0_i32, %c0_i32_0 : i32, i32
  }
  func.func @transform_11(%arg0: i32) -> (i32, i32) {
    %c0_i32 = arith.constant 0 : i32
    %c0_i32_0 = arith.constant 0 : i32
    %c0_i32_1 = arith.constant 0 : i32
    return %c0_i32, %c0_i32_0 : i32, i32
  }
  func.func @transform_12(%arg0: i32) -> (i32, i32) {
    %c0_i32 = arith.constant 0 : i32
    %c0_i32_0 = arith.constant 0 : i32
    %c0_i32_1 = arith.constant 0 : i32
    return %c0_i32, %c0_i32_0 : i32, i32
  }
}

</mosaic_0001>

<sc_bundles>
// kernel: kernel.11.cloned.1.call-start
scs
__scs_entry_jumppad:
0x0: {  	(pc) =	sbr.rel $0x88, $3  }
0x1: {  	(tag) =	ssettag $0x0;
	lr =	simm.s32 $0x1  }
0x2: {  	[smem:$0x3F93] =	sst lr;
	_ =	strace $0xD0000000  }
0x3: {  	_ = 	snop  }
0x4: {  	_ = 	snop  }
0x5: {  	_ = 	snop  }
0x6: {  	_ = 	snop  }
0x7: {  	_ = 	snop  }
__scs_overlays_trampoline_lowered:
0x8: {  	[smem:$0x3FA2] =	sst s0  }
0x9: {  	[smem:$0x3FA3] =	sst s1  }
0xa: {  	[smem:$0x3FA4] =	sst s2  }
0xb: {  	[smem:$0x3FA5] =	sst s3  }
0xc: {  	[smem:$0x3FA6] =	sst s4  }
0xd: {  	[smem:$0x3FA7] =	sst s5  }
0xe: {  	[smem:$0x3FA8] =	sst s6  }
0xf: {  	[smem:$0x3FA9] =	sst s7  }
0x10: {  	[smem:$0x3FAA] =	sst s8  }
0x11: {  	[smem:$0x3FAB] =	sst s9;
	s0 =	simm.s32 @!p0 $0x0  }
0x12: {  	s1 =	sld [smem:$0x3F91];
	s0 =	simm.s32 @p0 $0x1  }
0x13: {  	[smem:$0x3FAC] =	sst s0;
	s0 =	simm.s32 @!p1 $0x0  }
0x14: {  	s2 =	sld [smem:$0x3F90];
	s0 =	simm.s32 @p1 $0x1  }
0x15: {  	[smem:$0x3FAD] =	sst s0;
	s0 =	simm.s32 @!p2 $0x0  }
0x16: {  	s3 =	sld [smem:$0x3FDB];
	s0 =	simm.s32 @p2 $0x1  }
0x17: {  	s4 =	simm.s32 $0x1BF5;
	[smem:$0x3FAF] =	sst s0  }
0x18: {  	s0 =	sld [smem:$0x3F92];
	_ =	swait.ge [sflag:s4], $0x0  }
0x19: {  	s7 =	sld [smem:$0x3F93]  }
0x1a: {  	s8 =	sadd.s32 $0xFFFFE003, lr  }
0x1b: {  	s9 =	sadd.s32 $0xFFFFFEF7, lr;
	s5 =	simm.s32 $0xFFFFFFFF;
	p2 =	slt.u32 s8, $0xFFFFF086  }
0x1c: {  	p1 =	slt.u32 s9, $0xF7A;
	s5 =	simm.s32 @!p2 $0x0  }
0x1d: {  	s5 =	simm.s32 @p1 $0x1;
	p0 =	seq.s32 s7, s2  }
0x1e: {  	s7 =	smul.u32 @!p0 $0xF7A, s2;
	p2 =	seq.s32 @!p0 s5, $0x0  }
0x1f: {  	s9 =	smul.u32 $0xF7A, s1;
	s8 =	simm.s32 @!p0 $0x1BF5;
	p2 =	por !p2, p0  }
0x20: {  	[sflag:s8] =	ssyncset.s32 @!p0 $0xFFFFF086;
	s6 =	sadd.s32 @!p0 s3, s7;
	s7 =	simm.s32 @!p0 $0x108  }
0x21: {  	s3 =	sadd.s32 s3, s9;
	s6 =	sadd.s32 @!p0 $0x88, s6;
	s7 =	simm.s32 @p2 $0x1082  }
0x22: {  	[simem:s7], [sflag:s8] =	dma.local @!p0 [hbm:s6], $0xF7A  }
0x23: {  	s9 =	sor.u32 $0xD0000000, s2;
	s6 =	simm.s32 $0x108;
	_ =	swait.ge @!p0 [sflag:s8], $0x0  }
0x24: {  	s3 =	sadd.s32 $0x88, s3;
	s6 =	simm.s32 @!p1 $0x1082;
	[sflag:s4] =	ssyncset.s32 $0xFFFFF086  }
0x25: {  	[simem:s6], [sflag:s4] =	dma.local [hbm:s3], $0xF7A  }
0x26: {  	[smem:$0x3F93] =	sst s1;
	(tag) =	ssettag s2;
	_ =	strace s9  }
0x27: {  	s1 =	sld [smem:$0x3FA3]  }
0x28: {  	s2 =	sld [smem:$0x3FA4]  }
0x29: {  	s4 =	sld [smem:$0x3FA6]  }
0x2a: {  	p0 =	seq.s32 s5, $0x0;
	s5 =	sld [smem:$0x3FA7]  }
0x2b: {  	s6 =	sld [smem:$0x3FA8]  }
0x2c: {  	s7 =	sld [smem:$0x3FA9]  }
0x2d: {  	s3 =	simm.s32 $0x108;
	s8 =	sld [smem:$0x3FAA]  }
0x2e: {  	s3 =	simm.s32 @!p0 $0x1082;
	s9 =	sld [smem:$0x3FAB]  }
0x2f: {  	lr =	sadd.s32 s0, s3;
	s0 =	sld [smem:$0x3FA2]  }
0x30: {  	s3 =	sld [smem:$0x3FA5]  }
0x31: {  	[smem:$0x3FAE] =	sst s10  }
0x32: {  	s10 =	sld [smem:$0x3FAC];
	_ =	sdelay $0x3  }
0x33: {  	p0 =	seq.s32 s10, $0x1;
	s10 =	sld [smem:$0x3FAE];
	_ =	sdelay $0x3  }
0x34: {  	[smem:$0x3FAE] =	sst s10  }
0x35: {  	s10 =	sld [smem:$0x3FAD];
	_ =	sdelay $0x3  }
0x36: {  	p1 =	seq.s32 s10, $0x1;
	s10 =	sld [smem:$0x3FAE];
	_ =	sdelay $0x3  }
0x37: {  	[smem:$0x3FAE] =	sst s10  }
0x38: {  	s10 =	sld [smem:$0x3FAF]  }
0x39: {  	_ = 	snop;
	(pc) =	sbr.ind lr, $3  }
0x3a: {  	_ = 	snop  }
0x3b: {  	_ = 	snop  }
0x3c: {  	p2 =	seq.s32 s10, $0x1;
	s10 =	sld [smem:$0x3FAE]  }
0x3d: {  	_ =	shalt  }
0x3e: {  	_ =	shalt  }
0x3f: {  	_ =	shalt  }
0x40: {  	_ =	shalt  }
0x41: {  	_ =	shalt  }
0x42: {  	_ =	shalt  }
0x43: {  	_ =	shalt  }
0x44: {  	_ =	shalt  }
0x45: {  	_ =	shalt  }
0x46: {  	_ =	shalt  }
0x47: {  	_ =	shalt  }
0x48: {  	_ =	shalt  }
0x49: {  	_ =	shalt  }
0x4a: {  	_ =	shalt  }
0x4b: {  	_ =	shalt  }
0x4c: {  	_ =	shalt  }
0x4d: {  	_ =	shalt  }
0x4e: {  	_ =	shalt  }
0x4f: {  	_ =	shalt  }
0x50: {  	_ =	shalt  }
0x51: {  	_ =	shalt  }
0x52: {  	_ =	shalt  }
0x53: {  	_ =	shalt  }
0x54: {  	_ =	shalt  }
0x55: {  	_ =	shalt  }
0x56: {  	_ =	shalt  }
0x57: {  	_ =	shalt  }
0x58: {  	_ =	shalt  }
0x59: {  	_ =	shalt  }
0x5a: {  	_ =	shalt  }
0x5b: {  	_ =	shalt  }
0x5c: {  	_ =	shalt  }
0x5d: {  	_ =	shalt  }
0x5e: {  	_ =	shalt  }
0x5f: {  	_ =	shalt  }
0x60: {  	_ =	shalt  }
0x61: {  	_ =	shalt  }
0x62: {  	_ =	shalt  }
0x63: {  	_ =	shalt  }
0x64: {  	_ =	shalt  }
0x65: {  	_ =	shalt  }
0x66: {  	_ =	shalt  }
0x67: {  	_ =	shalt  }
0x68: {  	_ =	shalt  }
0x69: {  	_ =	shalt  }
0x6a: {  	_ =	shalt  }
0x6b: {  	_ =	shalt  }
0x6c: {  	_ =	shalt  }
0x6d: {  	_ =	shalt  }
0x6e: {  	_ =	shalt  }
0x6f: {  	_ =	shalt  }
0x70: {  	_ =	shalt  }
0x71: {  	_ =	shalt  }
0x72: {  	_ =	shalt  }
0x73: {  	_ =	shalt  }
0x74: {  	_ =	shalt  }
0x75: {  	_ =	shalt  }
0x76: {  	_ =	shalt  }
0x77: {  	_ =	shalt  }
0x78: {  	_ =	shalt  }
0x79: {  	_ =	shalt  }
0x7a: {  	_ =	shalt  }
0x7b: {  	_ =	shalt  }
0x7c: {  	_ =	shalt  }
0x7d: {  	_ =	shalt  }
0x7e: {  	_ =	shalt  }
0x7f: {  	_ =	shalt  }
0x80: {  	_ =	shalt  }
0x81: {  	_ =	shalt  }
0x82: {  	_ =	shalt  }
0x83: {  	_ =	shalt  }
0x84: {  	_ =	shalt  }
0x85: {  	_ =	shalt  }
0x86: {  	_ =	shalt  }
0x87: {  	_ =	shalt  }
.Lfunc_end0:
.L_simem_size_0:
called_computation.1_lowered:
.L_overlay_start_0:
0x88: {  	s2 =	sld [smem:$0x3FD9]  }
0x89: {  	s3 =	sld [smem:$0x3FFE];
	_ =	sdelay $0x1  }
0x8a: {  	s1 =	srdreg.scid  }
0x8b: {  	s0 =	sand.u32 $0x1, s1  }
0x8c: {  	s16 =	sshll.u32 s0, $0xA;
	s2 =	sadd.s32 s3, s2  }
0x8d: {  	s2 =	sadd.s32 s2, s16  }
0x8e: {  	[smem:$0x3FBA] =	sst s2  }
0x8f: {  	_ = 	snop  }
0x90: {  	(tm) =	ssettm $0x1  }
0x91: {  	s17 =	sld [smem:$0x3FFB];
	_ =	sdelay $0x3  }
0x92: {  	_ =	strace s17  }
0x93: {  	s2 =	sld [smem:$0x3FFC];
	_ =	sdelay $0x3  }
0x94: {  	_ =	strace s2  }
0x95: {  	s2 =	sld [smem:$0x3FFD];
	_ =	sdelay $0x3  }
0x96: {  	_ =	strace s2  }
0x97: {  	_ =	strace $0x8FFFFFFF  }
0x98: {  	s18 =	sld [smem:$0x3FDB];
	_ =	sdelay $0x1  }
0x99: {  	s19 =	simm.s32 $_scs_section_size  }
0x9a: {  	s4 =	simm.s32 $_size__tile_overlayer_lowered;
	s5 =	simm.s32 $_tile_overlayer_lowered  }
0x9b: {  	s22 =	simm.s32 $0x1BFF;
	s21 =	sshll.u32 s5, $0x1;
	s2 =	sadd.s32 s19, s18  }
0x9c: {  	s6 =	simm.s32 $0x0;
	s20 =	sshll.u32 s4, $0x1;
	s4 =	sadd.s32 s21, s2  }
0x9d: {  	[timem:s6], [sflag:s22] =	dma.local [hbm:s4], s20  }
0x9e: {  	_ =	swait.ge [sflag:s22], s20  }
0x9f: {  	s3 =	ssub.s32 $0x0, s20;
	[sflag:s22] =	ssyncset.done $0x0  }
0xa0: {  	[sflag:s22] =	ssyncadd.s32 s3;
	_ =	sdelay $0x1  }
0xa1: {  	s23 =	simm.s32 $0x1B8B  }
0xa2: {  	_ =	swait.ge [sflag:s23], $0x1  }
0xa3: {  	[sflag:s23] =	ssyncset.done $0x0  }
0xa4: {  	s25 =	simm.s32 $0x1B8E;
	s24 =	sld [smem:$0x3FFE];
	[sflag:s23] =	ssyncadd.s32 $0xFFFFFFFF  }
0xa5: {  	s26 =	simm.s32 $execute0_lowered;
	[smem:$0x3FD2] =	sst s25  }
0xa6: {  	s4 =	sshll.u32 s26, $0x1;
	_ =	strace $0x80000049;
	[dreg:$0x1] =	wrdreg $0xFFFFFFFF  }
0xa7: {  	s28 =	simm.s32 $_size_execute0_lowered;
	s2 =	sadd.s32 s2, s4;
	[dreg:$0x0] =	wrdreg $0x0  }
0xa8: {  	s4 =	sshll.u32 s28, $0x1;
	[dreg:$0x2] =	wrdreg s2  }
0xa9: {  	[dreg:$0x3] =	wrdreg s4  }
0xaa: {  	[dreg:$0x4] =	wrdreg $0xC0  }
0xab: {  	_ =	task [dreg:s6], $0x5FFFF  }
0xac: {  	[dreg:$0x1] =	wrdreg $0xFFFFFFFF  }
0xad: {  	[dreg:$0x0] =	wrdreg $0x60  }
0xae: {  	[dreg:$0x2] =	wrdreg s24  }
0xaf: {  	[dreg:$0x3] =	wrdreg $0xCE400  }
0xb0: {  	[dreg:$0x4] =	wrdreg $0x9  }
0xb1: {  	_ =	task.clear_ibuf [dreg:s6], $0x5FFFF;
	_ =	strace $0x90000049  }
0xb2: {  	s29 =	simm.s32 $0x9;
	_ =	strace $0x8000004B  }
0xb3: {  	_ =	swait.ge [sflag:s29], $0x1  }
0xb4: {  	[sflag:s29] =	ssyncadd.s32 $0xFFFFFFFF  }
0xb5: {  	_ =	strace $0x9000004B  }
0xb6: {  	_ =	sfence  }
0xb7: {  	s30 =	sld [smem:$0x0];
	_ =	sdelay $0x2  }
0xb8: {  	s31 =	sshll.u32 s1, $0xD;
	s1 =	sshrl.u32 s1, $0x2  }
0xb9: {  	s3 =	sand.u32 $0x4000, s31;
	s1 =	sadd.s32 s1, s30  }
0xba: {  	s0 =	sor.u32 s3, s0;
	s1 =	sshll.u32 s1, $0x11  }
0xbb: {  	s0 =	sor.u32 s1, s0  }
0xbc: {  	s0 =	sadd.s32 $0x8F2B, s0  }
0xbd: {  	[sflag:s0] =	ssyncadd.remote.s32 $0x1  }
0xbe: {  	_ =	sfence.sel $0xFFFF  }
0xbf: {  	[dreg:$0x0] =	wrdreg $0xFFFFFFFF;
	(pc) =	sbr.abs _section_cstart, $3  }
0xc0: {  	[dreg:$0x1] =	wrdreg $0xFFFFFFFF  }
0xc1: {  	_ =	task.clear_ibuf [dreg:s6], $0x2FFFF;
	_ =	strace $0x9FFFFFFF  }
0xc2: {  	(tm) =	ssettm $0x7FFFFFFF  }
0xc3: {  	_ =	shalt  }
tec
execute0_lowered:
.L_overlay_start_1:
0x0: {  	(tag) =	ssettag $0x1  }
0x1: {  	s6 =	rddreg [dreg:$0x0]  }
0x2: {  	s2 =	rddreg [dreg:$0x1];
	s3 =	simm.s32 $0x0;
	s4 =	srdreg.scid  }
0x3: {  	s0 =	stileid.u32;
	s18 =	simm.s32 $0x5;
	s19 =	simm.s32 $0x320  }
0x4: {  	s20 =	simm.s32 $0x190;
	s21 =	simm.s32 $0x4B0;
	s22 =	simm.s32 $0x6A40  }
0x5: {  	s23 =	simm.s32 $0x1;
	s24 =	simm.s32 $0x2;
	s8 =	smul.u32 $0x9E00, s0  }
0x6: {  	s25 =	simm.s32 $0x3;
	s26 =	simm.s32 $0x4;
	s10 =	smul.u32 $0x27800, s0  }
0x7: {  	s28 =	simm.s32 $0x0;
	[smem:$0x7FF] =	sst s3;
	s11 =	smul.u32 $0x4E20, s0  }
0x8: {  	s7 =	sand.u32 $0x1, s4;
	s4 =	sadd.s32 $0x20200, s6;
	s15 =	smul.u32 $0x9C4, s0  }
0x9: {  	s5 =	sadd.s32 $0xC800, s6;
	s14 =	sadd.s32 $0x2A00, s6;
	s9 =	smul.u32 $0x9E000, s7  }
0xa: {  	_ =	strace $0x8000004A;
	s12 =	ssub.s32 $0x2, s7;
	s7 =	smul.u32 $0x4E200, s7  }
0xb: {  	s30 =	sshrl.u32 s12, $0x1;
	s10 =	sshrl.u32 s10, $0x2;
	s9 =	sadd.s32 s8, s9  }
0xc: {  	s12 =	ssub.s32 s12, s30;
	s10 =	sadd.s32 s10, s2;
	s16 =	sadd.s32 s11, s7  }
0xd: {  	s11 =	sshrl.u32 s11, $0x3;
	s9 =	sshrl.u32 s9, $0x3;
	s7 =	sadd.s32 $0x6400, s10  }
0xe: {  	s31 =	sshrl.u32 s16, $0x3;
	s13 =	sadd.s32 $0x4B0, s16;
	s11 =	sadd.s32 s14, s11  }
0xf: {  	s14 =	sadd.s32 s15, s14;
	s16 =	sadd.s32 $0x320, s16;
	s9 =	sadd.s32 s9, s6  }
0x10: {  	s6 =	sadd.s32 s8, s2;
	s10 =	sadd.s32 s5, s31;
	s17 =	sshrl.u32 s13, $0x3  }
0x11: {  	s13 =	sadd.s32 $0x32, s11;
	s8 =	sadd.s32 $0x47400, s9;
	s9 =	smax.u32 s12, $0x1  }
0x12: {  	v0 =	vimm.f32 $0.0e+00;
	s12 =	sadd.s32 $0x32, s10;
	s15 =	sadd.s32 s17, s5;
	s17 =	simm.s32 $0x640  }
.LBB2_1:
0x13: {  	s30 =	simm.s32 $0x100;
	s29 =	simm.s32 $0x0  }
.LBB2_2:
0x14: {  	p0 =	sne.s32 s30, $0x18F00;
	[tilespmem:s29+$0x670] =	vst v0;
	s31 =	smov.u32 s30;
	s30 =	sadd.s32 $0x100, s30  }
.Ltmp0:
0x15: {  	[tilespmem:s29+$0x660] =	vst v0;
	(pc) =	sbr.rel @p0 .LBB2_2-.Ltmp0, $3  }
0x16: {  	[tilespmem:s29+$0x640] =	vst v0  }
0x17: {  	[tilespmem:s29+$0x650] =	vst v0;
	_ =	sdelay $0x1  }
0x18: {  	s29 =	sshra.s32 s31, $0x2  }
0x19: {  	[tilespmem:s29+$0x670] =	vst v0  }
0x1a: {  	[tilespmem:s29+$0x660] =	vst v0  }
0x1b: {  	[tilespmem:s29+$0x640] =	vst v0  }
0x1c: {  	[tilespmem:s29+$0x650] =	vst v0  }
0x1d: {  	[spmem:s6] =	stream.linear.scatter [tilespmem:s17], [sflag:$0x5], $0x6400, $0x38;
	[tilespmem:$0x16C40] =	vst v63  }
0x1e: {  	_ =	swait.ge [sflag:s18], $0x6400  }
0x1f: {  	[sflag:s18] =	ssyncset.done $0x0  }
0x20: {  	[sflag:s18] =	ssyncadd.s32 $0xFFFF9C00  }
0x21: {  	[spmem:s7] =	stream.linear.scatter [tilespmem:s17], [sflag:$0x5], $0x3A00, $0x38;
	[tilespmem:$0x16C40] =	vst v63  }
0x22: {  	_ =	swait.ge [sflag:s18], $0x3A00  }
0x23: {  	[sflag:s18] =	ssyncset.done $0x0  }
0x24: {  	[sflag:s18] =	ssyncadd.s32 $0xFFFFC600  }
0x25: {  	s29 =	simm.s32 $0x0;
	[bflag:$0x0] =	sbarrier.arrive $0xFFFF  }
0x26: {  	[tilespmem:s29], [sflag:$0x5] =	stream.linear.gather [hbm4b:s10+s29], $0x190, $0x38;
	[tilespmem:$0x16C40] =	vst v63  }
0x27: {  	_ =	swait.ge [sflag:s18], $0x190  }
0x28: {  	[sflag:s18] =	ssyncset.done $0x0  }
0x29: {  	[sflag:s18] =	ssyncadd.s32 $0xFFFFFE70  }
0x2a: {  	[tilespmem:s19], [sflag:$0x5] =	stream.linear.gather [hbm4b:s11+s29], $0x190, $0x38;
	[tilespmem:$0x16C40] =	vst v63  }
0x2b: {  	_ =	swait.ge [sflag:s18], $0x190  }
0x2c: {  	[sflag:s18] =	ssyncset.done $0x0  }
0x2d: {  	[sflag:s18] =	ssyncadd.s32 $0xFFFFFE70  }
0x2e: {  	[tilespmem:s17], [sflag:$0x1] =	stream.indirect.gather [hbm4b:s4+s20], $0x40, s29, s20, $0xb8;
	[tilespmem:$0x16C40] =	vst v63  }
0x2f: {  	_ = 	snop  }
0x30: {  	[tilespmem:s20], [sflag:$0x5] =	stream.linear.gather [hbm4b:s12+s29], $0x190, $0x38;
	[tilespmem:$0x16C40] =	vst v63  }
0x31: {  	_ =	swait.ge [sflag:s18], $0x190  }
0x32: {  	[sflag:s18] =	ssyncset.done $0x0  }
0x33: {  	[sflag:s18] =	ssyncadd.s32 $0xFFFFFE70  }
0x34: {  	[tilespmem:s21], [sflag:$0x5] =	stream.linear.gather [hbm4b:s13+s29], $0x190, $0x38;
	[tilespmem:$0x16C40] =	vst v63  }
0x35: {  	_ =	swait.ge [sflag:s18], $0x190  }
0x36: {  	[sflag:s18] =	ssyncset.done $0x0  }
0x37: {  	[sflag:s18] =	ssyncadd.s32 $0xFFFFFE70  }
0x38: {  	[tilespmem:s22], [sflag:$0x2] =	stream.indirect.gather [hbm4b:s4+s20], $0x40, s20, s20, $0xb8;
	[tilespmem:$0x16C40] =	vst v63  }
0x39: {  	_ =	swait.ge [sflag:s23], $0x6400  }
0x3a: {  	[sflag:s23] =	ssyncset.done $0x0  }
0x3b: {  	[sflag:s23] =	ssyncadd.s32 $0xFFFF9C00  }
0x3c: {  	[spmem:s2] =	stream.indirect.scatter.add.f32 [tilespmem:s17], [sflag:$0x3], $0x40, s19, s20, $0xb8;
	[tilespmem:$0x16C40] =	vst v63  }
0x3d: {  	_ =	swait.ge [sflag:s24], $0x6400  }
0x3e: {  	[sflag:s24] =	ssyncset.done $0x0  }
0x3f: {  	[sflag:s24] =	ssyncadd.s32 $0xFFFF9C00  }
0x40: {  	[spmem:s2] =	stream.indirect.scatter.add.f32 [tilespmem:s22], [sflag:$0x4], $0x40, s21, s20, $0xb8;
	[tilespmem:$0x16C40] =	vst v63  }
0x41: {  	_ =	swait.ge [sflag:s25], $0x6400  }
0x42: {  	s29 =	sshrl.u32 s16, $0x3;
	[sflag:s25] =	ssyncset.done $0x0  }
0x43: {  	s29 =	sadd.s32 s5, s29;
	[sflag:s25] =	ssyncadd.s32 $0xFFFF9C00  }
0x44: {  	[tilespmem:s3], [sflag:$0x5] =	stream.linear.gather [hbm4b:s29+s3], $0x190, $0x38;
	[tilespmem:$0x16C40] =	vst v63  }
0x45: {  	_ =	swait.ge [sflag:s18], $0x190  }
0x46: {  	s29 =	sadd.s32 $0x0, s14;
	[sflag:s18] =	ssyncset.done $0x0  }
0x47: {  	s30 =	sadd.s32 $0x64, s29;
	[sflag:s18] =	ssyncadd.s32 $0xFFFFFE70  }
0x48: {  	[tilespmem:s19], [sflag:$0x5] =	stream.linear.gather [hbm4b:s30+s3], $0x190, $0x38;
	[tilespmem:$0x16C40] =	vst v63  }
0x49: {  	_ =	swait.ge [sflag:s18], $0x190  }
0x4a: {  	[sflag:s18] =	ssyncset.done $0x0  }
0x4b: {  	[sflag:s18] =	ssyncadd.s32 $0xFFFFFE70  }
0x4c: {  	[tilespmem:s17], [sflag:$0x1] =	stream.indirect.gather [hbm4b:s4+s20], $0x40, s3, s20, $0xb8;
	[tilespmem:$0x16C40] =	vst v63  }
0x4d: {  	_ =	swait.ge [sflag:s26], $0x6400  }
0x4e: {  	[sflag:s26] =	ssyncset.done $0x0  }
0x4f: {  	s30 =	sadd.s32 $0x0, s15;
	[sflag:s26] =	ssyncadd.s32 $0xFFFF9C00  }
0x50: {  	[tilespmem:s20], [sflag:$0x5] =	stream.linear.gather [hbm4b:s30+s3], $0x190, $0x38;
	[tilespmem:$0x16C40] =	vst v63  }
0x51: {  	_ =	swait.ge [sflag:s18], $0x190  }
0x52: {  	[sflag:s18] =	ssyncset.done $0x0  }
0x53: {  	s29 =	sadd.s32 $0x96, s29;
	[sflag:s18] =	ssyncadd.s32 $0xFFFFFE70  }
0x54: {  	[tilespmem:s21], [sflag:$0x5] =	stream.linear.gather [hbm4b:s29+s3], $0x190, $0x38;
	[tilespmem:$0x16C40] =	vst v63  }
0x55: {  	_ =	swait.ge [sflag:s18], $0x190  }
0x56: {  	[sflag:s18] =	ssyncset.done $0x0  }
0x57: {  	[sflag:s18] =	ssyncadd.s32 $0xFFFFFE70  }
0x58: {  	[tilespmem:s22], [sflag:$0x2] =	stream.indirect.gather [hbm4b:s4+s20], $0x40, s20, s20, $0xb8;
	[tilespmem:$0x16C40] =	vst v63  }
0x59: {  	_ =	swait.ge [sflag:s23], $0x6400  }
0x5a: {  	[sflag:s23] =	ssyncset.done $0x0  }
0x5b: {  	[sflag:s23] =	ssyncadd.s32 $0xFFFF9C00  }
0x5c: {  	[spmem:s2] =	stream.indirect.scatter.add.f32 [tilespmem:s17], [sflag:$0x3], $0x40, s19, s20, $0xb8;
	[tilespmem:$0x16C40] =	vst v63  }
0x5d: {  	_ =	swait.ge [sflag:s24], $0x6400  }
0x5e: {  	[sflag:s24] =	ssyncset.done $0x0  }
0x5f: {  	s30 =	sadd.s32 $0x320, s16;
	s29 =	simm.s32 $0x64;
	[sflag:s24] =	ssyncadd.s32 $0xFFFF9C00  }
.LBB2_4:
0x60: {  	[spmem:s2] =	stream.indirect.scatter.add.f32 [tilespmem:s22], [sflag:$0x4], $0x40, s21, s20, $0xb8;
	[tilespmem:$0x16C40] =	vst v63  }
0x61: {  	s31 =	smov.u32 s29  }
0x62: {  	p0 =	sne.s32 s29, $0x8FC;
	s29 =	sadd.s32 $0x64, s29;
	_ =	swait.ge [sflag:s25], $0x6400  }
0x63: {  	s0 =	sshrl.u32 s30, $0x3;
	[sflag:s25] =	ssyncset.done $0x0  }
0x64: {  	s0 =	sadd.s32 s5, s0;
	[sflag:s25] =	ssyncadd.s32 $0xFFFF9C00  }
0x65: {  	[tilespmem:s3], [sflag:$0x5] =	stream.linear.gather [hbm4b:s0+s3], $0x190, $0x38;
	[tilespmem:$0x16C40] =	vst v63  }
0x66: {  	_ =	swait.ge [sflag:s18], $0x190  }
0x67: {  	s0 =	sadd.s32 s31, s14;
	[sflag:s18] =	ssyncset.done $0x0  }
0x68: {  	s1 =	sadd.s32 $0x64, s0;
	[sflag:s18] =	ssyncadd.s32 $0xFFFFFE70  }
0x69: {  	[tilespmem:s19], [sflag:$0x5] =	stream.linear.gather [hbm4b:s1+s3], $0x190, $0x38;
	[tilespmem:$0x16C40] =	vst v63  }
0x6a: {  	_ =	swait.ge [sflag:s18], $0x190  }
0x6b: {  	[sflag:s18] =	ssyncset.done $0x0  }
0x6c: {  	[sflag:s18] =	ssyncadd.s32 $0xFFFFFE70  }
0x6d: {  	[tilespmem:s17], [sflag:$0x1] =	stream.indirect.gather [hbm4b:s4+s20], $0x40, s3, s20, $0xb8;
	[tilespmem:$0x16C40] =	vst v63  }
0x6e: {  	_ =	swait.ge [sflag:s26], $0x6400  }
0x6f: {  	[sflag:s26] =	ssyncset.done $0x0  }
0x70: {  	s1 =	sadd.s32 s31, s15;
	[sflag:s26] =	ssyncadd.s32 $0xFFFF9C00  }
0x71: {  	[tilespmem:s20], [sflag:$0x5] =	stream.linear.gather [hbm4b:s1+s3], $0x190, $0x38;
	[tilespmem:$0x16C40] =	vst v63  }
0x72: {  	_ =	swait.ge [sflag:s18], $0x190  }
0x73: {  	[sflag:s18] =	ssyncset.done $0x0  }
0x74: {  	s0 =	sadd.s32 $0x96, s0;
	[sflag:s18] =	ssyncadd.s32 $0xFFFFFE70  }
0x75: {  	[tilespmem:s21], [sflag:$0x5] =	stream.linear.gather [hbm4b:s0+s3], $0x190, $0x38;
	[tilespmem:$0x16C40] =	vst v63  }
0x76: {  	_ =	swait.ge [sflag:s18], $0x190  }
0x77: {  	[sflag:s18] =	ssyncset.done $0x0  }
0x78: {  	[sflag:s18] =	ssyncadd.s32 $0xFFFFFE70  }
0x79: {  	[tilespmem:s22], [sflag:$0x2] =	stream.indirect.gather [hbm4b:s4+s20], $0x40, s20, s20, $0xb8;
	[tilespmem:$0x16C40] =	vst v63  }
0x7a: {  	_ =	swait.ge [sflag:s23], $0x6400  }
0x7b: {  	[sflag:s23] =	ssyncset.done $0x0  }
.Ltmp1:
0x7c: {  	[sflag:s23] =	ssyncadd.s32 $0xFFFF9C00;
	(pc) =	sbr.rel @p0 .LBB2_4-.Ltmp1, $4  }
0x7d: {  	[spmem:s2] =	stream.indirect.scatter.add.f32 [tilespmem:s17], [sflag:$0x3], $0x40, s19, s20, $0xb8;
	[tilespmem:$0x16C40] =	vst v63  }
0x7e: {  	_ =	swait.ge [sflag:s24], $0x6400  }
0x7f: {  	[sflag:s24] =	ssyncset.done $0x0  }
0x80: {  	s30 =	sadd.s32 $0x320, s30;
	[sflag:s24] =	ssyncadd.s32 $0xFFFF9C00  }
0x81: {  	[spmem:s2] =	stream.indirect.scatter.add.f32 [tilespmem:s22], [sflag:$0x4], $0x40, s21, s20, $0xb8;
	[tilespmem:$0x16C40] =	vst v63  }
0x82: {  	_ =	swait.ge [sflag:s25], $0x6400  }
0x83: {  	[sflag:s25] =	ssyncset.done $0x0  }
0x84: {  	[sflag:s25] =	ssyncadd.s32 $0xFFFF9C00  }
0x85: {  	s0 =	stileid.u32;
	_ =	swait.ge [sflag:s26], $0x6400  }
0x86: {  	s1 =	sshrl.u32 s6, $0x3;
	s28 =	sadd.s32 $0x1, s28;
	[sflag:s26] =	ssyncset.done $0x0  }
0x87: {  	s0 =	sshll.u32 s0, $0x6;
	p0 =	sne.s32 s28, s9;
	[sflag:s26] =	ssyncadd.s32 $0xFFFF9C00  }
.Ltmp2:
0x88: {  	s0 =	sor.u32 $0x1C05, s0;
	[bflag:$0x0] =	sbarrier.arrive $0xFFFF;
	(pc) =	sbr.rel @p0 .LBB2_1-.Ltmp2, $4  }
0x89: {  	[hbm:s8], [sflag:s0] =	dma.local [spmem:s1], $0x13C0  }
0x8a: {  	_ =	swait.ge [sflag:s18], $0x13C0  }
0x8b: {  	[sflag:s18] =	ssyncset.done $0x0  }
0x8c: {  	[sflag:s18] =	ssyncadd.s32 $0xFFFFEC40  }
0x8d: {  	_ =	sfence.sel $0x180000  }
0x8e: {  	[bflag:$0x0] =	sbarrier.arrive $0xFFFF  }
0x8f: {  	_ =	strace $0x9000004A  }
0x90: {  	s0 =	stileid.u32;
	[bflag:$0x2] =	sbarrier.arrive $0xFFFF  }
0x91: {  	p0 =	sne.s32 s0, $0x0;
	s0 =	rddreg [dreg:$0x2]  }
0x92: {  	s0 =	sadd.s32 @!p0 $0x100000, s0  }
0x93: {  	[sflag:s0] =	ssyncadd.tile.s32 @!p0 $0x1;
	_ =	shalt  }
.Lfunc_end2:
_tile_overlayer_lowered:
.L_overlay_start_2:
0x94: {  	(tag) =	ssettag $0x2  }
0x95: {  	s0 =	rddreg [dreg:$0x0];
	s2 =	stileid.u32  }
0x96: {  	s1 =	rddreg [dreg:$0x1];
	p0 =	sne.s32 s2, $0x0  }
0x97: {  	s3 =	rddreg [dreg:$0x2];
	[bflag:$0x3] =	sbarrier.arrive $0xFFFF;
	s2 =	simm.s32 @!p0 $0x1C05  }
0x98: {  	[timem:s3], [sflag:s2] =	dma.local @!p0 [hbm:s0], s1  }
0x99: {  	s0 =	simm.s32 @!p0 $0x5  }
0x9a: {  	_ =	swait.ge @!p0 [sflag:s0], s1  }
0x9b: {  	s1 =	ssub.s32 @!p0 $0x0, s1;
	[sflag:s0] =	ssyncset.done @!p0 $0x0  }
0x9c: {  	[sflag:s0] =	ssyncadd.s32 @!p0 s1  }
0x9d: {  	[bflag:$0x3] =	sbarrier.arrive $0xFFFF  }
0x9e: {  	_ =	shalt  }

// kernel: kernel.8.cloned.1.call-start
scs
__scs_entry_jumppad:
0x0: {  	(pc) =	sbr.rel $0x88, $3  }
0x1: {  	(tag) =	ssettag $0x0;
	lr =	simm.s32 $0x1  }
0x2: {  	[smem:$0x3F93] =	sst lr;
	_ =	strace $0xD0000000  }
0x3: {  	_ = 	snop  }
0x4: {  	_ = 	snop  }
0x5: {  	_ = 	snop  }
0x6: {  	_ = 	snop  }
0x7: {  	_ = 	snop  }
__scs_overlays_trampoline_lowered:
0x8: {  	[smem:$0x3FA2] =	sst s0  }
0x9: {  	[smem:$0x3FA3] =	sst s1  }
0xa: {  	[smem:$0x3FA4] =	sst s2  }
0xb: {  	[smem:$0x3FA5] =	sst s3  }
0xc: {  	[smem:$0x3FA6] =	sst s4  }
0xd: {  	[smem:$0x3FA7] =	sst s5  }
0xe: {  	[smem:$0x3FA8] =	sst s6  }
0xf: {  	[smem:$0x3FA9] =	sst s7  }
0x10: {  	[smem:$0x3FAA] =	sst s8  }
0x11: {  	[smem:$0x3FAB] =	sst s9;
	s0 =	simm.s32 @!p0 $0x0  }
0x12: {  	s1 =	sld [smem:$0x3F91];
	s0 =	simm.s32 @p0 $0x1  }
0x13: {  	[smem:$0x3FAC] =	sst s0;
	s0 =	simm.s32 @!p1 $0x0  }
0x14: {  	s2 =	sld [smem:$0x3F90];
	s0 =	simm.s32 @p1 $0x1  }
0x15: {  	[smem:$0x3FAD] =	sst s0;
	s0 =	simm.s32 @!p2 $0x0  }
0x16: {  	s3 =	sld [smem:$0x3FDB];
	s0 =	simm.s32 @p2 $0x1  }
0x17: {  	s4 =	simm.s32 $0x1BF5;
	[smem:$0x3FAF] =	sst s0  }
0x18: {  	s0 =	sld [smem:$0x3F92];
	_ =	swait.ge [sflag:s4], $0x0  }
0x19: {  	s7 =	sld [smem:$0x3F93]  }
0x1a: {  	s8 =	sadd.s32 $0xFFFFE003, lr  }
0x1b: {  	s9 =	sadd.s32 $0xFFFFFEF7, lr;
	s5 =	simm.s32 $0xFFFFFFFF;
	p2 =	slt.u32 s8, $0xFFFFF086  }
0x1c: {  	p1 =	slt.u32 s9, $0xF7A;
	s5 =	simm.s32 @!p2 $0x0  }
0x1d: {  	s5 =	simm.s32 @p1 $0x1;
	p0 =	seq.s32 s7, s2  }
0x1e: {  	s7 =	smul.u32 @!p0 $0xF7A, s2;
	p2 =	seq.s32 @!p0 s5, $0x0  }
0x1f: {  	s9 =	smul.u32 $0xF7A, s1;
	s8 =	simm.s32 @!p0 $0x1BF5;
	p2 =	por !p2, p0  }
0x20: {  	[sflag:s8] =	ssyncset.s32 @!p0 $0xFFFFF086;
	s6 =	sadd.s32 @!p0 s3, s7;
	s7 =	simm.s32 @!p0 $0x108  }
0x21: {  	s3 =	sadd.s32 s3, s9;
	s6 =	sadd.s32 @!p0 $0x88, s6;
	s7 =	simm.s32 @p2 $0x1082  }
0x22: {  	[simem:s7], [sflag:s8] =	dma.local @!p0 [hbm:s6], $0xF7A  }
0x23: {  	s9 =	sor.u32 $0xD0000000, s2;
	s6 =	simm.s32 $0x108;
	_ =	swait.ge @!p0 [sflag:s8], $0x0  }
0x24: {  	s3 =	sadd.s32 $0x88, s3;
	s6 =	simm.s32 @!p1 $0x1082;
	[sflag:s4] =	ssyncset.s32 $0xFFFFF086  }
0x25: {  	[simem:s6], [sflag:s4] =	dma.local [hbm:s3], $0xF7A  }
0x26: {  	[smem:$0x3F93] =	sst s1;
	(tag) =	ssettag s2;
	_ =	strace s9  }
0x27: {  	s1 =	sld [smem:$0x3FA3]  }
0x28: {  	s2 =	sld [smem:$0x3FA4]  }
0x29: {  	s4 =	sld [smem:$0x3FA6]  }
0x2a: {  	p0 =	seq.s32 s5, $0x0;
	s5 =	sld [smem:$0x3FA7]  }
0x2b: {  	s6 =	sld [smem:$0x3FA8]  }
0x2c: {  	s7 =	sld [smem:$0x3FA9]  }
0x2d: {  	s3 =	simm.s32 $0x108;
	s8 =	sld [smem:$0x3FAA]  }
0x2e: {  	s3 =	simm.s32 @!p0 $0x1082;
	s9 =	sld [smem:$0x3FAB]  }
0x2f: {  	lr =	sadd.s32 s0, s3;
	s0 =	sld [smem:$0x3FA2]  }
0x30: {  	s3 =	sld [smem:$0x3FA5]  }
0x31: {  	[smem:$0x3FAE] =	sst s10  }
0x32: {  	s10 =	sld [smem:$0x3FAC];
	_ =	sdelay $0x3  }
0x33: {  	p0 =	seq.s32 s10, $0x1;
	s10 =	sld [smem:$0x3FAE];
	_ =	sdelay $0x3  }
0x34: {  	[smem:$0x3FAE] =	sst s10  }
0x35: {  	s10 =	sld [smem:$0x3FAD];
	_ =	sdelay $0x3  }
0x36: {  	p1 =	seq.s32 s10, $0x1;
	s10 =	sld [smem:$0x3FAE];
	_ =	sdelay $0x3  }
0x37: {  	[smem:$0x3FAE] =	sst s10  }
0x38: {  	s10 =	sld [smem:$0x3FAF]  }
0x39: {  	_ = 	snop;
	(pc) =	sbr.ind lr, $3  }
0x3a: {  	_ = 	snop  }
0x3b: {  	_ = 	snop  }
0x3c: {  	p2 =	seq.s32 s10, $0x1;
	s10 =	sld [smem:$0x3FAE]  }
0x3d: {  	_ =	shalt  }
0x3e: {  	_ =	shalt  }
0x3f: {  	_ =	shalt  }
0x40: {  	_ =	shalt  }
0x41: {  	_ =	shalt  }
0x42: {  	_ =	shalt  }
0x43: {  	_ =	shalt  }
0x44: {  	_ =	shalt  }
0x45: {  	_ =	shalt  }
0x46: {  	_ =	shalt  }
0x47: {  	_ =	shalt  }
0x48: {  	_ =	shalt  }
0x49: {  	_ =	shalt  }
0x4a: {  	_ =	shalt  }
0x4b: {  	_ =	shalt  }
0x4c: {  	_ =	shalt  }
0x4d: {  	_ =	shalt  }
0x4e: {  	_ =	shalt  }
0x4f: {  	_ =	shalt  }
0x50: {  	_ =	shalt  }
0x51: {  	_ =	shalt  }
0x52: {  	_ =	shalt  }
0x53: {  	_ =	shalt  }
0x54: {  	_ =	shalt  }
0x55: {  	_ =	shalt  }
0x56: {  	_ =	shalt  }
0x57: {  	_ =	shalt  }
0x58: {  	_ =	shalt  }
0x59: {  	_ =	shalt  }
0x5a: {  	_ =	shalt  }
0x5b: {  	_ =	shalt  }
0x5c: {  	_ =	shalt  }
0x5d: {  	_ =	shalt  }
0x5e: {  	_ =	shalt  }
0x5f: {  	_ =	shalt  }
0x60: {  	_ =	shalt  }
0x61: {  	_ =	shalt  }
0x62: {  	_ =	shalt  }
0x63: {  	_ =	shalt  }
0x64: {  	_ =	shalt  }
0x65: {  	_ =	shalt  }
0x66: {  	_ =	shalt  }
0x67: {  	_ =	shalt  }
0x68: {  	_ =	shalt  }
0x69: {  	_ =	shalt  }
0x6a: {  	_ =	shalt  }
0x6b: {  	_ =	shalt  }
0x6c: {  	_ =	shalt  }
0x6d: {  	_ =	shalt  }
0x6e: {  	_ =	shalt  }
0x6f: {  	_ =	shalt  }
0x70: {  	_ =	shalt  }
0x71: {  	_ =	shalt  }
0x72: {  	_ =	shalt  }
0x73: {  	_ =	shalt  }
0x74: {  	_ =	shalt  }
0x75: {  	_ =	shalt  }
0x76: {  	_ =	shalt  }
0x77: {  	_ =	shalt  }
0x78: {  	_ =	shalt  }
0x79: {  	_ =	shalt  }
0x7a: {  	_ =	shalt  }
0x7b: {  	_ =	shalt  }
0x7c: {  	_ =	shalt  }
0x7d: {  	_ =	shalt  }
0x7e: {  	_ =	shalt  }
0x7f: {  	_ =	shalt  }
0x80: {  	_ =	shalt  }
0x81: {  	_ =	shalt  }
0x82: {  	_ =	shalt  }
0x83: {  	_ =	shalt  }
0x84: {  	_ =	shalt  }
0x85: {  	_ =	shalt  }
0x86: {  	_ =	shalt  }
0x87: {  	_ =	shalt  }
.Lfunc_end0:
.L_simem_size_0:
called_computation_lowered:
.L_overlay_start_0:
0x88: {  	s2 =	sld [smem:$0x3FD9]  }
0x89: {  	s3 =	sld [smem:$0x3FFE];
	_ =	sdelay $0x1  }
0x8a: {  	s1 =	srdreg.scid  }
0x8b: {  	s0 =	sand.u32 $0x1, s1  }
0x8c: {  	s16 =	sshll.u32 s0, $0xA;
	s2 =	sadd.s32 s3, s2  }
0x8d: {  	s2 =	sadd.s32 s2, s16  }
0x8e: {  	[smem:$0x3FBA] =	sst s2  }
0x8f: {  	_ = 	snop  }
0x90: {  	(tm) =	ssettm $0x1  }
0x91: {  	s17 =	sld [smem:$0x3FFB];
	_ =	sdelay $0x3  }
0x92: {  	_ =	strace s17  }
0x93: {  	s2 =	sld [smem:$0x3FFC];
	_ =	sdelay $0x3  }
0x94: {  	_ =	strace s2  }
0x95: {  	s2 =	sld [smem:$0x3FFD];
	_ =	sdelay $0x3  }
0x96: {  	_ =	strace s2  }
0x97: {  	_ =	strace $0x8FFFFFFF  }
0x98: {  	s18 =	sld [smem:$0x3FDB];
	_ =	sdelay $0x1  }
0x99: {  	s19 =	simm.s32 $_scs_section_size  }
0x9a: {  	s4 =	simm.s32 $_size__tile_overlayer_lowered;
	s5 =	simm.s32 $_tile_overlayer_lowered  }
0x9b: {  	s22 =	simm.s32 $0x1BFF;
	s21 =	sshll.u32 s5, $0x1;
	s2 =	sadd.s32 s19, s18  }
0x9c: {  	s6 =	simm.s32 $0x0;
	s20 =	sshll.u32 s4, $0x1;
	s4 =	sadd.s32 s21, s2  }
0x9d: {  	[timem:s6], [sflag:s22] =	dma.local [hbm:s4], s20  }
0x9e: {  	_ =	swait.ge [sflag:s22], s20  }
0x9f: {  	s3 =	ssub.s32 $0x0, s20;
	[sflag:s22] =	ssyncset.done $0x0  }
0xa0: {  	[sflag:s22] =	ssyncadd.s32 s3;
	_ =	sdelay $0x1  }
0xa1: {  	s23 =	simm.s32 $0x1B8B  }
0xa2: {  	_ =	swait.ge [sflag:s23], $0x1  }
0xa3: {  	[sflag:s23] =	ssyncset.done $0x0  }
0xa4: {  	s25 =	simm.s32 $0x1B8E;
	s24 =	sld [smem:$0x3FFE];
	[sflag:s23] =	ssyncadd.s32 $0xFFFFFFFF  }
0xa5: {  	s26 =	simm.s32 $execute0_lowered;
	[smem:$0x3FD2] =	sst s25  }
0xa6: {  	s4 =	sshll.u32 s26, $0x1;
	_ =	strace $0x80000046;
	[dreg:$0x1] =	wrdreg $0xFFFFFFFF  }
0xa7: {  	s28 =	simm.s32 $_size_execute0_lowered;
	s2 =	sadd.s32 s2, s4;
	[dreg:$0x0] =	wrdreg $0x0  }
0xa8: {  	s4 =	sshll.u32 s28, $0x1;
	[dreg:$0x2] =	wrdreg s2  }
0xa9: {  	[dreg:$0x3] =	wrdreg s4  }
0xaa: {  	[dreg:$0x4] =	wrdreg $0xC0  }
0xab: {  	_ =	task [dreg:s6], $0x5FFFF  }
0xac: {  	[dreg:$0x1] =	wrdreg $0xFFFFFFFF  }
0xad: {  	[dreg:$0x0] =	wrdreg $0x60  }
0xae: {  	[dreg:$0x2] =	wrdreg s24  }
0xaf: {  	[dreg:$0x3] =	wrdreg $0xE7400  }
0xb0: {  	[dreg:$0x4] =	wrdreg $0x185400  }
0xb1: {  	[dreg:$0x5] =	wrdreg $0x9  }
0xb2: {  	_ =	task.clear_ibuf [dreg:s6], $0x6FFFF;
	_ =	strace $0x90000046  }
0xb3: {  	s29 =	simm.s32 $0x9;
	_ =	strace $0x80000048  }
0xb4: {  	_ =	swait.ge [sflag:s29], $0x1  }
0xb5: {  	[sflag:s29] =	ssyncadd.s32 $0xFFFFFFFF  }
0xb6: {  	_ =	strace $0x90000048  }
0xb7: {  	_ =	sfence  }
0xb8: {  	s30 =	sld [smem:$0x0];
	_ =	sdelay $0x2  }
0xb9: {  	s31 =	sshll.u32 s1, $0xD;
	s1 =	sshrl.u32 s1, $0x2  }
0xba: {  	s3 =	sand.u32 $0x4000, s31;
	s1 =	sadd.s32 s1, s30  }
0xbb: {  	s0 =	sor.u32 s3, s0;
	s1 =	sshll.u32 s1, $0x11  }
0xbc: {  	s0 =	sor.u32 s1, s0  }
0xbd: {  	s0 =	sadd.s32 $0x8F2B, s0  }
0xbe: {  	[sflag:s0] =	ssyncadd.remote.s32 $0x1  }
0xbf: {  	_ =	sfence.sel $0xFFFF  }
0xc0: {  	[dreg:$0x0] =	wrdreg $0xFFFFFFFF;
	(pc) =	sbr.abs _section_cstart, $3  }
0xc1: {  	[dreg:$0x1] =	wrdreg $0xFFFFFFFF  }
0xc2: {  	_ =	task.clear_ibuf [dreg:s6], $0x2FFFF;
	_ =	strace $0x9FFFFFFF  }
0xc3: {  	(tm) =	ssettm $0x7FFFFFFF  }
tec
execute0_lowered:
.L_overlay_start_1:
0x0: {  	(tag) =	ssettag $0x1  }
0x1: {  	s0 =	rddreg [dreg:$0x0];
	s15 =	stileid.u32  }
0x2: {  	s2 =	rddreg [dreg:$0x1];
	s7 =	smul.u32 $0x9E00, s15  }
0x3: {  	s1 =	srdreg.scid;
	s9 =	smul.u32 $0x2780, s15  }
0x4: {  	s3 =	rddreg [dreg:$0x2];
	s4 =	simm.s32 $0x0;
	s13 =	smul.u32 $0x278, s15  }
0x5: {  	s28 =	simm.s32 $0x3;
	s29 =	simm.s32 $0x4;
	s31 =	smul.u32 $0x4E20, s15  }
0x6: {  	s30 =	simm.s32 $0x5;
	s1 =	sand.u32 $0x1, s1;
	s21 =	smul.u32 $0x9C4, s15  }
0x7: {  	[smem:$0x7FF] =	sst s4;
	s5 =	sadd.s32 $0x20200, s0;
	s8 =	smul.u32 $0x9E000, s1  }
0x8: {  	s6 =	sadd.s32 $0xC800, s0;
	s11 =	sadd.s32 $0x2A00, s0;
	s10 =	smul.u32 $0x27800, s1  }
0x9: {  	_ =	strace $0x80000047;
	s12 =	ssub.s32 $0x2, s1;
	s14 =	smul.u32 $0x4E200, s1  }
0xa: {  	p0 =	seq.s32 s1, $0x0;
	p1 =	sne.s32 s1, $0x0;
	s1 =	simm.s32 $0x0  }
0xb: {  	s25 =	sshrl.u32 s12, $0x1;
	s26 =	sadd.s32 $0x190, s13;
	s16 =	sadd.s32 s7, s2  }
0xc: {  	s24 =	sshrl.u32 s31, $0x3;
	s8 =	sadd.s32 s7, s8;
	s10 =	sadd.s32 s9, s10  }
0xd: {  	s17 =	sshll.u32 s26, $0x6;
	s9 =	sadd.s32 s9, s3;
	s18 =	sshll.u32 s26, $0x4  }
0xe: {  	s19 =	sadd.s32 s31, s14;
	[dreg:$0x6] =	wrdreg s16;
	s8 =	sshrl.u32 s8, $0x3  }
0xf: {  	s10 =	sshrl.u32 s10, $0x3;
	s7 =	sadd.s32 s17, s2;
	[dreg:$0x8] =	wrdreg s9  }
0x10: {  	s20 =	sshrl.u32 s19, $0x3;
	s31 =	sadd.s32 $0x320, s19;
	[dreg:$0x7] =	wrdreg s7  }
0x11: {  	s23 =	sadd.s32 $0x4B0, s19;
	s7 =	sadd.s32 s18, s3;
	[dreg:$0x11] =	wrdreg s31  }
0x12: {  	s8 =	sadd.s32 s8, s0;
	s22 =	sadd.s32 s6, s20;
	[dreg:$0x9] =	wrdreg s7  }
0x13: {  	s0 =	sadd.s32 s10, s0;
	s8 =	sadd.s32 $0x51200, s8;
	[dreg:$0xd] =	wrdreg s22  }
0x14: {  	s10 =	ssub.s32 s12, s25;
	s0 =	sadd.s32 $0x47400, s0;
	[dreg:$0xa] =	wrdreg s8  }
0x15: {  	s19 =	simm.s32 $0x640;
	s10 =	smax.u32 s10, $0x1;
	[dreg:$0xb] =	wrdreg s0  }
0x16: {  	s20 =	simm.s32 $0x6;
	s25 =	sadd.s32 $0x32, s22;
	[dreg:$0xc] =	wrdreg s10  }
0x17: {  	s22 =	simm.s32 $0x320;
	s8 =	sadd.s32 s21, s11;
	[dreg:$0xf] =	wrdreg s25  }
0x18: {  	s0 =	sshrl.u32 s23, $0x3;
	s10 =	sadd.s32 s11, s24;
	[dreg:$0x4] =	wrdreg s8  }
0x19: {  	s23 =	simm.s32 $0x190;
	[dreg:$0xe] =	wrdreg s10;
	s26 =	sadd.s32 $0x32, s10  }
0x1a: {  	s24 =	simm.s32 $0x4B0;
	s0 =	sadd.s32 s0, s6;
	[dreg:$0x10] =	wrdreg s26  }
0x1b: {  	v0 =	vimm.f32 $0.0e+00;
	v1 =	vimm.f32 $1.000000000e+00;
	s25 =	simm.s32 $0x6A40;
	[dreg:$0x5] =	wrdreg s0;
	s26 =	simm.s32 $0x1  }
.LBB2_1:
0x1c: {  	[dreg:$0x12] =	wrdreg s1;
	s1 =	simm.s32 $0x100;
	s0 =	simm.s32 $0x0  }
.LBB2_2:
0x1d: {  	p2 =	sne.s32 s1, $0x18F00;
	[tilespmem:s0+$0x670] =	vst v0;
	s7 =	smov.u32 s1;
	s1 =	sadd.s32 $0x100, s1  }
.Ltmp0:
0x1e: {  	[tilespmem:s0+$0x660] =	vst v0;
	(pc) =	sbr.rel @p2 .LBB2_2-.Ltmp0, $3  }
0x1f: {  	[tilespmem:s0+$0x640] =	vst v0  }
0x20: {  	[tilespmem:s0+$0x650] =	vst v0;
	_ =	sdelay $0x1  }
0x21: {  	s0 =	sshra.s32 s7, $0x2  }
0x22: {  	[tilespmem:s0+$0x670] =	vst v0  }
0x23: {  	[tilespmem:s0+$0x660] =	vst v0  }
0x24: {  	[tilespmem:s0+$0x640] =	vst v0  }
0x25: {  	[tilespmem:s0+$0x650] =	vst v0  }
0x26: {  	[spmem:s16] =	stream.linear.scatter [tilespmem:s19], [sflag:$0x6], $0x6400, $0x38;
	[tilespmem:$0x1ACC0] =	vst v63  }
0x27: {  	_ =	swait.ge [sflag:s20], $0x6400  }
0x28: {  	[sflag:s20] =	ssyncset.done $0x0  }
0x29: {  	s31 =	rddreg [dreg:$0x7];
	[sflag:s20] =	ssyncadd.s32 $0xFFFF9C00  }
0x2a: {  	[spmem:s31] =	stream.linear.scatter [tilespmem:s19], [sflag:$0x6], $0x3A00, $0x38;
	[tilespmem:$0x1ACC0] =	vst v63  }
0x2b: {  	_ =	swait.ge [sflag:s20], $0x3A00  }
0x2c: {  	[sflag:s20] =	ssyncset.done $0x0  }
0x2d: {  	s0 =	simm.s32 $0x40;
	s1 =	simm.s32 $0x0;
	[sflag:s20] =	ssyncadd.s32 $0xFFFFC600  }
.LBB2_4:
0x2e: {  	p2 =	sne.s32 s0, $0x63C0;
	[tilespmem:s1+$0xCE40] =	vst v0;
	s1 =	smov.u32 s0;
	s0 =	sadd.s32 $0x40, s0  }
.Ltmp1:
0x2f: {  	(pc) =	sbr.rel @p2 .LBB2_4-.Ltmp1, $2  }
0x30: {  	_ =	sdelay $0x2  }
0x31: {  	s1 =	sshra.s32 s1, $0x2  }
0x32: {  	[tilespmem:s1+$0xCE40] =	vst v0;
	s31 =	simm.s32 $0xCE40  }
0x33: {  	[spmem:s9] =	stream.linear.scatter [tilespmem:s31], [sflag:$0x6], $0x1900, $0x38;
	[tilespmem:$0x1ACC0] =	vst v63  }
0x34: {  	_ =	swait.ge [sflag:s20], $0x1900  }
0x35: {  	[sflag:s20] =	ssyncset.done $0x0  }
0x36: {  	s0 =	rddreg [dreg:$0x9];
	[sflag:s20] =	ssyncadd.s32 $0xFFFFE700  }
0x37: {  	[spmem:s0] =	stream.linear.scatter [tilespmem:s31], [sflag:$0x6], $0xE80, $0x38;
	[tilespmem:$0x1ACC0] =	vst v63  }
0x38: {  	_ =	swait.ge [sflag:s20], $0xE80  }
0x39: {  	[sflag:s20] =	ssyncset.done $0x0  }
0x3a: {  	s1 =	simm.s32 $0x0;
	s0 =	simm.s32 $0x40;
	[sflag:s20] =	ssyncadd.s32 $0xFFFFF180  }
.LBB2_6:
0x3b: {  	p2 =	sne.s32 s0, $0x63C0;
	[tilespmem:s1+$0xCE40] =	vst v1;
	s1 =	smov.u32 s0;
	s0 =	sadd.s32 $0x40, s0  }
.Ltmp2:
0x3c: {  	(pc) =	sbr.rel @p2 .LBB2_6-.Ltmp2, $2  }
0x3d: {  	_ =	sdelay $0x2  }
0x3e: {  	s1 =	sshra.s32 s1, $0x2  }
0x3f: {  	[tilespmem:s1+$0xCE40] =	vst v1  }
0x40: {  	[bflag:$0x0] =	sbarrier.arrive $0xFFFF  }
0x41: {  	s0 =	rddreg [dreg:$0xd]  }
0x42: {  	[tilespmem:s4], [sflag:$0x6] =	stream.linear.gather [hbm4b:s0+s4], $0x190, $0x38;
	[tilespmem:$0x1ACC0] =	vst v63  }
0x43: {  	_ =	swait.ge [sflag:s20], $0x190  }
0x44: {  	[sflag:s20] =	ssyncset.done $0x0  }
0x45: {  	s12 =	rddreg [dreg:$0xe];
	[sflag:s20] =	ssyncadd.s32 $0xFFFFFE70  }
0x46: {  	[tilespmem:s22], [sflag:$0x6] =	stream.linear.gather [hbm4b:s12+s4], $0x190, $0x38;
	[tilespmem:$0x1ACC0] =	vst v63  }
0x47: {  	_ =	swait.ge [sflag:s20], $0x190  }
0x48: {  	[sflag:s20] =	ssyncset.done $0x0  }
0x49: {  	[sflag:s20] =	ssyncadd.s32 $0xFFFFFE70  }
0x4a: {  	[tilespmem:s19], [sflag:$0x1] =	stream.indirect.gather [hbm4b:s5+s23], $0x40, s4, s23, $0xb8;
	[tilespmem:$0x1ACC0] =	vst v63  }
0x4b: {  	s13 =	rddreg [dreg:$0xf]  }
0x4c: {  	[tilespmem:s23], [sflag:$0x6] =	stream.linear.gather [hbm4b:s13+s4], $0x190, $0x38;
	[tilespmem:$0x1ACC0] =	vst v63  }
0x4d: {  	_ =	swait.ge [sflag:s20], $0x190  }
0x4e: {  	[sflag:s20] =	ssyncset.done $0x0  }
0x4f: {  	s14 =	rddreg [dreg:$0x10];
	[sflag:s20] =	ssyncadd.s32 $0xFFFFFE70  }
0x50: {  	[tilespmem:s24], [sflag:$0x6] =	stream.linear.gather [hbm4b:s14+s4], $0x190, $0x38;
	[tilespmem:$0x1ACC0] =	vst v63  }
0x51: {  	_ =	swait.ge [sflag:s20], $0x190  }
0x52: {  	[sflag:s20] =	ssyncset.done $0x0  }
0x53: {  	[sflag:s20] =	ssyncadd.s32 $0xFFFFFE70  }
0x54: {  	[tilespmem:s25], [sflag:$0x2] =	stream.indirect.gather [hbm4b:s5+s23], $0x40, s23, s23, $0xb8;
	[tilespmem:$0x1ACC0] =	vst v63  }
0x55: {  	_ =	swait.ge [sflag:s26], $0x6400  }
0x56: {  	[sflag:s26] =	ssyncset.done $0x0  }
0x57: {  	[sflag:s26] =	ssyncadd.s32 $0xFFFF9C00  }
0x58: {  	[spmem:s2] =	stream.indirect.scatter.add.f32 [tilespmem:s19], [sflag:$0x3], $0x40, s22, s23, $0xb8;
	[tilespmem:$0x1ACC0] =	vst v63  }
0x59: {  	s1 =	simm.s32 @p0 $0x320;
	s7 =	simm.s32 @p0 $0xCE40;
	s0 =	simm.s32 @p0 $0x190  }
0x5a: {  	[spmem:s3] =	stream.indirect.scatter.add.f32 @p0 [tilespmem:s7], [sflag:$0x5], $0x10, s1, s0, $0xb8;
	[tilespmem:$0x1ACC0] =	vst v63  }
0x5b: {  	s1 =	simm.s32 @p0 $0x2  }
0x5c: {  	_ =	swait.ge @p0 [sflag:s1], $0x6400  }
0x5d: {  	[sflag:s1] =	ssyncset.done @p0 $0x0  }
0x5e: {  	s7 =	simm.s32 @p0 $0x6A40;
	[sflag:s1] =	ssyncadd.s32 @p0 $0xFFFF9C00;
	s1 =	simm.s32 @p0 $0x4B0  }
0x5f: {  	[spmem:s2] =	stream.indirect.scatter.add.f32 @p0 [tilespmem:s7], [sflag:$0x4], $0x40, s1, s0, $0xb8;
	[tilespmem:$0x1ACC0] =	vst v63  }
0x60: {  	s0 =	simm.s32 @!p0 $0x2  }
0x61: {  	_ =	swait.ge @!p0 [sflag:s0], $0x6400  }
0x62: {  	s1 =	simm.s32 @!p0 $0x4B0;
	[sflag:s0] =	ssyncset.done @!p0 $0x0  }
0x63: {  	s7 =	simm.s32 @!p0 $0x6A40;
	[sflag:s0] =	ssyncadd.s32 @!p0 $0xFFFF9C00;
	s0 =	simm.s32 @!p0 $0x190  }
0x64: {  	[spmem:s2] =	stream.indirect.scatter.add.f32 @!p0 [tilespmem:s7], [sflag:$0x4], $0x40, s1, s0, $0xb8;
	[tilespmem:$0x1ACC0] =	vst v63  }
0x65: {  	s7 =	simm.s32 @!p0 $0xCE40  }
0x66: {  	[spmem:s3] =	stream.indirect.scatter.add.f32 @!p0 [tilespmem:s7], [sflag:$0x5], $0x10, s1, s0, $0xb8;
	[tilespmem:$0x1ACC0] =	vst v63  }
0x67: {  	_ =	swait.ge [sflag:s28], $0x6400  }
0x68: {  	s15 =	rddreg [dreg:$0x11]  }
0x69: {  	[sflag:s28] =	ssyncset.done $0x0;
	s17 =	sshrl.u32 s15, $0x3  }
0x6a: {  	[sflag:s28] =	ssyncadd.s32 $0xFFFF9C00;
	s0 =	sadd.s32 s6, s17  }
0x6b: {  	[tilespmem:s4], [sflag:$0x6] =	stream.linear.gather [hbm4b:s0+s4], $0x190, $0x38;
	[tilespmem:$0x1ACC0] =	vst v63  }
0x6c: {  	_ =	swait.ge [sflag:s20], $0x190  }
0x6d: {  	s18 =	rddreg [dreg:$0x4]  }
0x6e: {  	[sflag:s20] =	ssyncset.done $0x0;
	s0 =	sadd.s32 $0x0, s18  }
0x6f: {  	[sflag:s20] =	ssyncadd.s32 $0xFFFFFE70;
	s21 =	sadd.s32 $0x64, s0  }
0x70: {  	[tilespmem:s22], [sflag:$0x6] =	stream.linear.gather [hbm4b:s21+s4], $0x190, $0x38;
	[tilespmem:$0x1ACC0] =	vst v63  }
0x71: {  	_ =	swait.ge [sflag:s20], $0x190  }
0x72: {  	[sflag:s20] =	ssyncset.done $0x0  }
0x73: {  	[sflag:s20] =	ssyncadd.s32 $0xFFFFFE70  }
0x74: {  	[tilespmem:s19], [sflag:$0x1] =	stream.indirect.gather [hbm4b:s5+s23], $0x40, s4, s23, $0xb8;
	[tilespmem:$0x1ACC0] =	vst v63  }
0x75: {  	_ =	swait.ge [sflag:s29], $0x6400  }
0x76: {  	s31 =	rddreg [dreg:$0x5];
	[sflag:s29] =	ssyncset.done $0x0  }
0x77: {  	[sflag:s29] =	ssyncadd.s32 $0xFFFF9C00;
	s1 =	sadd.s32 $0x0, s31  }
0x78: {  	[tilespmem:s23], [sflag:$0x6] =	stream.linear.gather [hbm4b:s1+s4], $0x190, $0x38;
	[tilespmem:$0x1ACC0] =	vst v63  }
0x79: {  	_ =	swait.ge [sflag:s20], $0x190  }
0x7a: {  	[sflag:s20] =	ssyncset.done $0x0  }
0x7b: {  	s0 =	sadd.s32 $0x96, s0;
	[sflag:s20] =	ssyncadd.s32 $0xFFFFFE70  }
0x7c: {  	[tilespmem:s24], [sflag:$0x6] =	stream.linear.gather [hbm4b:s0+s4], $0x190, $0x38;
	[tilespmem:$0x1ACC0] =	vst v63  }
0x7d: {  	_ =	swait.ge [sflag:s20], $0x190  }
0x7e: {  	[sflag:s20] =	ssyncset.done $0x0  }
0x7f: {  	[sflag:s20] =	ssyncadd.s32 $0xFFFFFE70  }
0x80: {  	[tilespmem:s25], [sflag:$0x2] =	stream.indirect.gather [hbm4b:s5+s23], $0x40, s23, s23, $0xb8;
	[tilespmem:$0x1ACC0] =	vst v63  }
0x81: {  	_ =	swait.ge [sflag:s26], $0x6400  }
0x82: {  	[sflag:s26] =	ssyncset.done $0x0  }
0x83: {  	s1 =	simm.s32 @p1 $0x2;
	[sflag:s26] =	ssyncadd.s32 $0xFFFF9C00  }
0x84: {  	[spmem:s2] =	stream.indirect.scatter.add.f32 [tilespmem:s19], [sflag:$0x3], $0x40, s22, s23, $0xb8;
	[tilespmem:$0x1ACC0] =	vst v63  }
0x85: {  	_ =	swait.ge @p1 [sflag:s1], $0x6400  }
0x86: {  	s8 =	simm.s32 @p1 $0x190;
	[sflag:s1] =	ssyncset.done @p1 $0x0  }
0x87: {  	s10 =	simm.s32 @p1 $0x4B0;
	s0 =	simm.s32 @p1 $0x6A40;
	[sflag:s1] =	ssyncadd.s32 @p1 $0xFFFF9C00  }
0x88: {  	[spmem:s2] =	stream.indirect.scatter.add.f32 @p1 [tilespmem:s0], [sflag:$0x4], $0x40, s10, s8, $0xb8;
	[tilespmem:$0x1ACC0] =	vst v63  }
0x89: {  	s11 =	simm.s32 @p1 $0xCE40;
	s16 =	simm.s32 @!p1 $0x320  }
0x8a: {  	[spmem:s3] =	stream.indirect.scatter.add.f32 @p1 [tilespmem:s11], [sflag:$0x5], $0x10, s10, s8, $0xb8;
	[tilespmem:$0x1ACC0] =	vst v63  }
0x8b: {  	s12 =	simm.s32 @!p1 $0xCE40;
	s13 =	simm.s32 @!p1 $0x190;
	s21 =	simm.s32 @!p1 $0x2  }
0x8c: {  	[spmem:s3] =	stream.indirect.scatter.add.f32 @!p1 [tilespmem:s12], [sflag:$0x5], $0x10, s16, s13, $0xb8;
	[tilespmem:$0x1ACC0] =	vst v63  }
0x8d: {  	_ =	swait.ge @!p1 [sflag:s21], $0x6400  }
0x8e: {  	s7 =	simm.s32 @!p1 $0x6A40;
	s14 =	sadd.s32 $0x320, s15;
	[sflag:s21] =	ssyncset.done @!p1 $0x0  }
0x8f: {  	s15 =	simm.s32 @!p1 $0x4B0;
	s17 =	simm.s32 $0x64;
	[sflag:s21] =	ssyncadd.s32 @!p1 $0xFFFF9C00  }
.LBB2_8:
0x90: {  	[spmem:s2] =	stream.indirect.scatter.add.f32 @!p1 [tilespmem:s7], [sflag:$0x4], $0x40, s15, s13, $0xb8;
	[tilespmem:$0x1ACC0] =	vst v63  }
0x91: {  	_ =	swait.ge [sflag:s28], $0x6400  }
0x92: {  	s18 =	sshrl.u32 s14, $0x3;
	[sflag:s28] =	ssyncset.done $0x0  }
0x93: {  	s18 =	sadd.s32 s6, s18;
	[sflag:s28] =	ssyncadd.s32 $0xFFFF9C00  }
0x94: {  	[tilespmem:s4], [sflag:$0x6] =	stream.linear.gather [hbm4b:s18+s4], $0x190, $0x38;
	[tilespmem:$0x1ACC0] =	vst v63  }
0x95: {  	_ =	swait.ge [sflag:s20], $0x190  }
0x96: {  	s9 =	smov.u32 s17;
	s31 =	rddreg [dreg:$0x4]  }
0x97: {  	[sflag:s20] =	ssyncset.done $0x0;
	s18 =	sadd.s32 s9, s31  }
0x98: {  	[sflag:s20] =	ssyncadd.s32 $0xFFFFFE70;
	s31 =	sadd.s32 $0x64, s18  }
0x99: {  	[tilespmem:s22], [sflag:$0x6] =	stream.linear.gather [hbm4b:s31+s4], $0x190, $0x38;
	[tilespmem:$0x1ACC0] =	vst v63  }
0x9a: {  	_ =	swait.ge [sflag:s20], $0x190  }
0x9b: {  	[sflag:s20] =	ssyncset.done $0x0  }
0x9c: {  	[sflag:s20] =	ssyncadd.s32 $0xFFFFFE70  }
0x9d: {  	[tilespmem:s19], [sflag:$0x1] =	stream.indirect.gather [hbm4b:s5+s23], $0x40, s4, s23, $0xb8;
	[tilespmem:$0x1ACC0] =	vst v63  }
0x9e: {  	_ =	swait.ge [sflag:s29], $0x6400  }
0x9f: {  	s31 =	rddreg [dreg:$0x5];
	[sflag:s29] =	ssyncset.done $0x0  }
0xa0: {  	[sflag:s29] =	ssyncadd.s32 $0xFFFF9C00;
	s9 =	sadd.s32 s9, s31  }
0xa1: {  	[tilespmem:s23], [sflag:$0x6] =	stream.linear.gather [hbm4b:s9+s4], $0x190, $0x38;
	[tilespmem:$0x1ACC0] =	vst v63  }
0xa2: {  	_ =	swait.ge [sflag:s20], $0x190  }
0xa3: {  	[sflag:s20] =	ssyncset.done $0x0  }
0xa4: {  	s31 =	sadd.s32 $0x96, s18;
	[sflag:s20] =	ssyncadd.s32 $0xFFFFFE70  }
0xa5: {  	[tilespmem:s24], [sflag:$0x6] =	stream.linear.gather [hbm4b:s31+s4], $0x190, $0x38;
	[tilespmem:$0x1ACC0] =	vst v63  }
0xa6: {  	_ =	swait.ge [sflag:s20], $0x190  }
0xa7: {  	[sflag:s20] =	ssyncset.done $0x0  }
0xa8: {  	[sflag:s20] =	ssyncadd.s32 $0xFFFFFE70  }
0xa9: {  	[tilespmem:s25], [sflag:$0x2] =	stream.indirect.gather [hbm4b:s5+s23], $0x40, s23, s23, $0xb8;
	[tilespmem:$0x1ACC0] =	vst v63  }
0xaa: {  	_ =	swait.ge [sflag:s26], $0x6400  }
0xab: {  	[sflag:s26] =	ssyncset.done $0x0  }
0xac: {  	[sflag:s26] =	ssyncadd.s32 $0xFFFF9C00  }
0xad: {  	[spmem:s2] =	stream.indirect.scatter.add.f32 [tilespmem:s19], [sflag:$0x3], $0x40, s22, s23, $0xb8;
	[tilespmem:$0x1ACC0] =	vst v63  }
0xae: {  	_ =	swait.ge @p1 [sflag:s1], $0x6400  }
0xaf: {  	[sflag:s1] =	ssyncset.done @p1 $0x0  }
0xb0: {  	s17 =	sadd.s32 $0x64, s17;
	[sflag:s1] =	ssyncadd.s32 @p1 $0xFFFF9C00  }
0xb1: {  	[spmem:s2] =	stream.indirect.scatter.add.f32 @p1 [tilespmem:s0], [sflag:$0x4], $0x40, s10, s8, $0xb8;
	[tilespmem:$0x1ACC0] =	vst v63  }
0xb2: {  	p2 =	sne.s32 s17, $0x960  }
0xb3: {  	[spmem:s3] =	stream.indirect.scatter.add.f32 @p1 [tilespmem:s11], [sflag:$0x5], $0x10, s10, s8, $0xb8;
	[tilespmem:$0x1ACC0] =	vst v63  }
.Ltmp3:
0xb4: {  	_ = 	snop;
	(pc) =	sbr.rel @p2 .LBB2_8-.Ltmp3, $4  }
0xb5: {  	[spmem:s3] =	stream.indirect.scatter.add.f32 @!p1 [tilespmem:s12], [sflag:$0x5], $0x10, s16, s13, $0xb8;
	[tilespmem:$0x1ACC0] =	vst v63  }
0xb6: {  	_ =	swait.ge @!p1 [sflag:s21], $0x6400  }
0xb7: {  	[sflag:s21] =	ssyncset.done @!p1 $0x0  }
0xb8: {  	s14 =	sadd.s32 $0x320, s14;
	[sflag:s21] =	ssyncadd.s32 @!p1 $0xFFFF9C00  }
0xb9: {  	[spmem:s2] =	stream.indirect.scatter.add.f32 @!p1 [tilespmem:s7], [sflag:$0x4], $0x40, s15, s13, $0xb8;
	[tilespmem:$0x1ACC0] =	vst v63  }
0xba: {  	_ =	swait.ge [sflag:s28], $0x6400  }
0xbb: {  	[sflag:s28] =	ssyncset.done $0x0  }
0xbc: {  	[sflag:s28] =	ssyncadd.s32 $0xFFFF9C00  }
0xbd: {  	_ =	swait.ge [sflag:s29], $0x6400  }
0xbe: {  	[sflag:s29] =	ssyncset.done $0x0  }
0xbf: {  	[sflag:s29] =	ssyncadd.s32 $0xFFFF9C00  }
0xc0: {  	_ =	swait.ge [sflag:s30], $0x1900  }
0xc1: {  	[sflag:s30] =	ssyncset.done $0x0  }
0xc2: {  	[sflag:s30] =	ssyncadd.s32 $0xFFFFE700  }
0xc3: {  	_ =	swait.ge [sflag:s30], $0x1900  }
0xc4: {  	[sflag:s30] =	ssyncset.done $0x0  }
0xc5: {  	[sflag:s30] =	ssyncadd.s32 $0xFFFFE700  }
0xc6: {  	_ =	swait.ge [sflag:s30], $0x1900  }
0xc7: {  	[sflag:s30] =	ssyncset.done $0x0  }
0xc8: {  	[sflag:s30] =	ssyncadd.s32 $0xFFFFE700  }
0xc9: {  	_ =	swait.ge [sflag:s30], $0x1900  }
0xca: {  	[sflag:s30] =	ssyncset.done $0x0  }
0xcb: {  	[sflag:s30] =	ssyncadd.s32 $0xFFFFE700  }
0xcc: {  	_ =	swait.ge [sflag:s30], $0x1900  }
0xcd: {  	[sflag:s30] =	ssyncset.done $0x0  }
0xce: {  	[sflag:s30] =	ssyncadd.s32 $0xFFFFE700  }
0xcf: {  	_ =	swait.ge [sflag:s30], $0x1900  }
0xd0: {  	[sflag:s30] =	ssyncset.done $0x0  }
0xd1: {  	[sflag:s30] =	ssyncadd.s32 $0xFFFFE700  }
0xd2: {  	_ =	swait.ge [sflag:s30], $0x1900  }
0xd3: {  	[sflag:s30] =	ssyncset.done $0x0  }
0xd4: {  	[sflag:s30] =	ssyncadd.s32 $0xFFFFE700  }
0xd5: {  	_ =	swait.ge [sflag:s30], $0x1900  }
0xd6: {  	[sflag:s30] =	ssyncset.done $0x0  }
0xd7: {  	[sflag:s30] =	ssyncadd.s32 $0xFFFFE700  }
0xd8: {  	_ =	swait.ge [sflag:s30], $0x1900  }
0xd9: {  	[sflag:s30] =	ssyncset.done $0x0  }
0xda: {  	[sflag:s30] =	ssyncadd.s32 $0xFFFFE700  }
0xdb: {  	_ =	swait.ge [sflag:s30], $0x1900  }
0xdc: {  	[sflag:s30] =	ssyncset.done $0x0  }
0xdd: {  	[sflag:s30] =	ssyncadd.s32 $0xFFFFE700  }
0xde: {  	_ =	swait.ge [sflag:s30], $0x1900  }
0xdf: {  	[sflag:s30] =	ssyncset.done $0x0  }
0xe0: {  	[sflag:s30] =	ssyncadd.s32 $0xFFFFE700  }
0xe1: {  	_ =	swait.ge [sflag:s30], $0x1900  }
0xe2: {  	[sflag:s30] =	ssyncset.done $0x0  }
0xe3: {  	[sflag:s30] =	ssyncadd.s32 $0xFFFFE700  }
0xe4: {  	_ =	swait.ge [sflag:s30], $0x1900  }
0xe5: {  	[sflag:s30] =	ssyncset.done $0x0  }
0xe6: {  	[sflag:s30] =	ssyncadd.s32 $0xFFFFE700  }
0xe7: {  	_ =	swait.ge [sflag:s30], $0x1900  }
0xe8: {  	[sflag:s30] =	ssyncset.done $0x0  }
0xe9: {  	[sflag:s30] =	ssyncadd.s32 $0xFFFFE700  }
0xea: {  	_ =	swait.ge [sflag:s30], $0x1900  }
0xeb: {  	[sflag:s30] =	ssyncset.done $0x0  }
0xec: {  	[sflag:s30] =	ssyncadd.s32 $0xFFFFE700  }
0xed: {  	_ =	swait.ge [sflag:s30], $0x1900  }
0xee: {  	[sflag:s30] =	ssyncset.done $0x0  }
0xef: {  	[sflag:s30] =	ssyncadd.s32 $0xFFFFE700  }
0xf0: {  	_ =	swait.ge [sflag:s30], $0x1900  }
0xf1: {  	[sflag:s30] =	ssyncset.done $0x0  }
0xf2: {  	[sflag:s30] =	ssyncadd.s32 $0xFFFFE700  }
0xf3: {  	_ =	swait.ge [sflag:s30], $0x1900  }
0xf4: {  	[sflag:s30] =	ssyncset.done $0x0  }
0xf5: {  	[sflag:s30] =	ssyncadd.s32 $0xFFFFE700  }
0xf6: {  	_ =	swait.ge [sflag:s30], $0x1900  }
0xf7: {  	[sflag:s30] =	ssyncset.done $0x0  }
0xf8: {  	[sflag:s30] =	ssyncadd.s32 $0xFFFFE700  }
0xf9: {  	_ =	swait.ge [sflag:s30], $0x1900  }
0xfa: {  	[sflag:s30] =	ssyncset.done $0x0  }
0xfb: {  	[sflag:s30] =	ssyncadd.s32 $0xFFFFE700  }
0xfc: {  	_ =	swait.ge [sflag:s30], $0x1900  }
0xfd: {  	[sflag:s30] =	ssyncset.done $0x0  }
0xfe: {  	[sflag:s30] =	ssyncadd.s32 $0xFFFFE700  }
0xff: {  	_ =	swait.ge [sflag:s30], $0x1900  }
0x100: {  	[sflag:s30] =	ssyncset.done $0x0  }
0x101: {  	[sflag:s30] =	ssyncadd.s32 $0xFFFFE700  }
0x102: {  	_ =	swait.ge [sflag:s30], $0x1900  }
0x103: {  	[sflag:s30] =	ssyncset.done $0x0  }
0x104: {  	[sflag:s30] =	ssyncadd.s32 $0xFFFFE700  }
0x105: {  	_ =	swait.ge [sflag:s30], $0x1900  }
0x106: {  	[sflag:s30] =	ssyncset.done $0x0  }
0x107: {  	[sflag:s30] =	ssyncadd.s32 $0xFFFFE700  }
0x108: {  	_ =	swait.ge [sflag:s30], $0x1900  }
0x109: {  	[sflag:s30] =	ssyncset.done $0x0  }
0x10a: {  	[sflag:s30] =	ssyncadd.s32 $0xFFFFE700  }
0x10b: {  	s0 =	stileid.u32;
	[bflag:$0x0] =	sbarrier.arrive $0xFFFF  }
0x10c: {  	s0 =	sshll.u32 s0, $0x6;
	s16 =	rddreg [dreg:$0x6]  }
0x10d: {  	s0 =	sor.u32 $0x1C06, s0;
	s15 =	rddreg [dreg:$0xa];
	s1 =	sshrl.u32 s16, $0x3  }
0x10e: {  	[hbm:s15], [sflag:s0] =	dma.local [spmem:s1], $0x13C0  }
0x10f: {  	_ =	swait.ge [sflag:s20], $0x13C0  }
0x110: {  	[sflag:s20] =	ssyncset.done $0x0;
	s9 =	rddreg [dreg:$0x8]  }
0x111: {  	s18 =	rddreg [dreg:$0xb];
	[sflag:s20] =	ssyncadd.s32 $0xFFFFEC40;
	s17 =	sshrl.u32 s9, $0x3  }
0x112: {  	[hbm:s18], [sflag:s0] =	dma.local [spmem:s17], $0x4F0  }
0x113: {  	_ =	swait.ge [sflag:s20], $0x4F0  }
0x114: {  	s21 =	rddreg [dreg:$0x12]  }
0x115: {  	s31 =	rddreg [dreg:$0xc];
	s1 =	sadd.s32 $0x1, s21  }
0x116: {  	p2 =	sne.s32 s1, s31  }
.Ltmp4:
0x117: {  	_ = 	snop;
	(pc) =	sbr.rel @p2 .LBB2_1-.Ltmp4, $3  }
0x118: {  	_ =	sdelay $0x1  }
0x119: {  	[sflag:s20] =	ssyncset.done $0x0  }
0x11a: {  	[sflag:s20] =	ssyncadd.s32 $0xFFFFFB10  }
0x11b: {  	_ =	sfence.sel $0x180000  }
0x11c: {  	[bflag:$0x0] =	sbarrier.arrive $0xFFFF  }
0x11d: {  	_ =	strace $0x90000047  }
0x11e: {  	s0 =	stileid.u32;
	[bflag:$0x2] =	sbarrier.arrive $0xFFFF  }
0x11f: {  	p0 =	sne.s32 s0, $0x0;
	s0 =	rddreg [dreg:$0x3]  }
0x120: {  	s0 =	sadd.s32 @!p0 $0x100000, s0  }
0x121: {  	[sflag:s0] =	ssyncadd.tile.s32 @!p0 $0x1;
	_ =	shalt  }
.Lfunc_end2:
_tile_overlayer_lowered:
.L_overlay_start_2:
0x122: {  	(tag) =	ssettag $0x2  }
0x123: {  	s0 =	rddreg [dreg:$0x0];
	s2 =	stileid.u32  }
0x124: {  	s1 =	rddreg [dreg:$0x1];
	p0 =	sne.s32 s2, $0x0  }
0x125: {  	s3 =	rddreg [dreg:$0x2];
	[bflag:$0x3] =	sbarrier.arrive $0xFFFF;
	s2 =	simm.s32 @!p0 $0x1C06  }
0x126: {  	[timem:s3], [sflag:s2] =	dma.local @!p0 [hbm:s0], s1  }
0x127: {  	s0 =	simm.s32 @!p0 $0x6  }
0x128: {  	_ =	swait.ge @!p0 [sflag:s0], s1  }
0x129: {  	s1 =	ssub.s32 @!p0 $0x0, s1;
	[sflag:s0] =	ssyncset.done @!p0 $0x0  }
0x12a: {  	[sflag:s0] =	ssyncadd.s32 @!p0 s1  }
0x12b: {  	[bflag:$0x3] =	sbarrier.arrive $0xFFFF  }
0x12c: {  	_ =	shalt  }

</sc_bundles>
